<compile_context>
chip_gen: v7x
topology: tpu7x:2x2x1
jax: 0.10.2.dev20260603
libtpu: 0.0.44.dev20260713+nightly
codegen_flags: <defaults>
</compile_context>

<pallas_src>
import functools

import jax
import jax.numpy as jnp
from jax import lax
from jax.experimental import pallas as pl
from jax.experimental.pallas import tpu as pltpu
from jax.experimental.pallas import tpu_sc as plsc

KNN = 6
_BIG = 3.0e38
_SC_NC = 1
_SC_NS = 16
_SC_NW = _SC_NC * _SC_NS


def _sc_gather_rows(table, idx):
    G = idx.shape[0]
    D = table.shape[1]
    bpw = G // _SC_NW
    mesh = plsc.VectorSubcoreMesh(core_axis_name="c", subcore_axis_name="s",
                                  num_cores=_SC_NC)

    @functools.partial(
        pl.kernel, mesh=mesh,
        compiler_params=pltpu.CompilerParams(use_tc_tiling_on_sc=False),
        out_type=jax.ShapeDtypeStruct((G, D), jnp.float32),
        scratch_types=[
            pltpu.VMEM((bpw,), jnp.int32),
            pltpu.VMEM((bpw, D), jnp.float32),
            pltpu.SemaphoreType.DMA,
        ],
    )
    def k(table_hbm, idx_hbm, out_hbm, idx_v, rows_v, sem):
        wid = lax.axis_index("s") * _SC_NC + lax.axis_index("c")
        base = wid * bpw
        pltpu.sync_copy(idx_hbm.at[pl.ds(base, bpw)], idx_v)
        pltpu.async_copy(table_hbm.at[idx_v], rows_v, sem).wait()
        pltpu.sync_copy(rows_v, out_hbm.at[pl.ds(base, bpw)])

    return k(table, idx)


def _sqn(x):
    return jnp.sum(x * x, axis=-1)


def _dot(x, y):
    return jax.lax.dot_general(x, y, (((1,), (1,)), ((), ())),
                               preferred_element_type=jnp.float32)


def _mm(a, b):
    return jax.lax.dot_general(a, b, (((1,), (0,)), ((), ())),
                               preferred_element_type=jnp.float32)


def _bnorm(x):
    n = jnp.sqrt(_sqn(x) + 1e-08)[:, None]
    return x / (n + 1e-10)


def _cos(a, b):
    num = jnp.sum(a * b, axis=-1)
    na = jnp.sqrt(_sqn(a))
    nb = jnp.sqrt(_sqn(b))
    return num / jnp.maximum(na * nb, 1e-08)


def _chamfer_body(in3_ref, up_ref, off_ref, upr_ref, offr_ref, upc_ref,
                  offc_ref, tbl_ref):
    u = pl.program_id(1)
    in3 = in3_ref[0]
    gt = in3[:, 0:3]
    yy = _sqn(gt)

    @pl.when(u == 0)
    def _():
        m = in3.shape[0]
        tbl_ref[0] = jnp.concatenate(
            [in3[:, 3:6], jnp.zeros((m, 13), jnp.float32)], axis=1)
    for x_ref, r_ref, c_ref in ((up_ref, upr_ref, upc_ref),
                                (off_ref, offr_ref, offc_ref)):
        x = x_ref[0]
        d = _sqn(x)[:, None] + yy[None, :] - 2.0 * _dot(x, gt)
        r_ref[0, 0] = jnp.min(d, axis=1)
        cm = jnp.min(d, axis=0)

        @pl.when(u == 0)
        def _():
            c_ref[0, 0] = cm

        @pl.when(u != 0)
        def _():
            c_ref[0, 0] = jnp.minimum(c_ref[0, 0], cm)


def _nearest_body(pts_ref, in3_ref, idx_ref):
    b = pl.program_id(0)
    in3 = in3_ref[0]
    gt = in3[:, 0:3]
    m_pts = gt.shape[0]
    x = pts_ref[0]
    s = _sqn(x)[:, None] + _sqn(gt)[None, :] - 2.0 * _dot(x, gt)
    m = jnp.min(s, axis=1)
    jidx = jax.lax.broadcasted_iota(jnp.int32, s.shape, 1)
    idx = jnp.min(jnp.where(s == m[:, None], jidx, m_pts), axis=1)
    idx_ref[0, 0] = idx + b * m_pts


def _smooth_body(pts_ref, norgt_ref, o0_ref, o1_ref,
                 sm_ref, lnor_ref, lno_ref):
    p = pts_ref[0]
    nor_gt = norgt_ref[0][:, 0:3]
    ori_pre = _bnorm(o0_ref[0])
    nor_pre = _bnorm(o1_ref[0])
    d_n = jnp.sum(nor_gt * ori_pre, axis=1)[:, None]
    ori_pro = _bnorm(ori_pre - nor_gt * d_n)
    lnor_ref[0, 0] = 1.0 - jnp.abs(_cos(nor_gt, nor_pre))
    lno_ref[0, 0] = jnp.abs(d_n[:, 0])
    ox, oy, oz = ori_pro[:, 0], ori_pro[:, 1], ori_pro[:, 2]
    nx, ny, nz = nor_gt[:, 0], nor_gt[:, 1], nor_gt[:, 2]
    ori_rot = jnp.stack([oy * nz - oz * ny,
                         oz * nx - ox * nz,
                         ox * ny - oy * nx], axis=1)
    pp = _sqn(p)
    s = pp[:, None] + pp[None, :] - 2.0 * _dot(p, p)
    jidx = jax.lax.broadcasted_iota(jnp.int32, s.shape, 1)
    rhs = jnp.concatenate([ori_pro, nor_gt], axis=1)
    n = s.shape[0]
    acc = jnp.zeros((n,), jnp.float32)
    for _ in range(KNN):
        m = jnp.min(s, axis=1)
        a = jnp.min(jnp.where(s == m[:, None], jidx, n), axis=1)
        hit = a[:, None] == jidx
        s = jnp.where(hit, _BIG, s)
        g = _mm(hit.astype(jnp.float32), rhs)
        g_ori = g[:, 0:3]
        g_nor = g[:, 3:6]
        ndiff = jnp.sum(g_nor * nor_gt, axis=1)
        w = jnp.where(jnp.exp(-ndiff / 0.3) * 10.0 + 1.0 < 4.0, 1.0, 5.0)
        c0 = 1.0 - jnp.abs(_cos(g_ori, ori_pro))
        c1 = 1.0 - jnp.abs(_cos(g_ori, ori_rot))
        acc = acc + w * jnp.minimum(c0, c1)
    sm_ref[0, 0] = acc


def _finish_body(upr_ref, offr_ref, upc_ref, offc_ref, sm_ref, lnor_ref,
                 lno_ref, loss_ref, lsm_ref, lnr_ref, lco_ref, lno_out_ref,
                 lch_ref):
    nu = upr_ref.shape[0] * upr_ref.shape[2]
    nm = upc_ref.shape[0] * upc_ref.shape[2]
    nn = sm_ref.shape[0] * sm_ref.shape[2]
    loss_smooth = jnp.sum(sm_ref[...]) / (nn * KNN)
    loss_nor = jnp.sum(lnor_ref[...]) / nn
    loss_nor_ori = jnp.sum(lno_ref[...]) / nn
    loss_charm_offset = jnp.sum(offr_ref[...]) / nu + jnp.sum(offc_ref[...]) / nm
    loss_charm = jnp.sum(upr_ref[...]) / nu + jnp.sum(upc_ref[...]) / nm
    loss_cd = loss_charm + 0.4 * loss_charm_offset
    loss = loss_smooth + loss_nor + 0.1 * loss_nor_ori + 200.0 * loss_cd
    loss_ref[0, 0] = loss
    lsm_ref[0, 0] = loss_smooth
    lnr_ref[0, 0] = loss_nor
    lco_ref[0, 0] = loss_charm_offset
    lno_out_ref[0, 0] = loss_nor_ori
    lch_ref[0, 0] = loss_charm


def kernel(inputs_3, outputs_0, outputs_1, outputs_2, outputs_3, pts, epoch):
    B, N, _ = pts.shape
    M = inputs_3.shape[1]
    U = outputs_2.shape[1]
    f32 = jnp.float32

    TU = 1024
    nu = U // TU
    upr, offr, upc, offc, nor_table = pl.pallas_call(
        _chamfer_body,
        grid=(B, nu),
        in_specs=[
            pl.BlockSpec((1, M, 6), lambda b, u: (b, 0, 0)),
            pl.BlockSpec((1, TU, 3), lambda b, u: (b, u, 0)),
            pl.BlockSpec((1, TU, 3), lambda b, u: (b, u, 0)),
        ],
        out_specs=[
            pl.BlockSpec((1, 1, TU), lambda b, u: (b * nu + u, 0, 0)),
            pl.BlockSpec((1, 1, TU), lambda b, u: (b * nu + u, 0, 0)),
            pl.BlockSpec((1, 1, M), lambda b, u: (b, 0, 0)),
            pl.BlockSpec((1, 1, M), lambda b, u: (b, 0, 0)),
            pl.BlockSpec((1, M, 16), lambda b, u: (b, 0, 0)),
        ],
        out_shape=[
            jax.ShapeDtypeStruct((B * nu, 1, TU), f32),
            jax.ShapeDtypeStruct((B * nu, 1, TU), f32),
            jax.ShapeDtypeStruct((B, 1, M), f32),
            jax.ShapeDtypeStruct((B, 1, M), f32),
            jax.ShapeDtypeStruct((B, M, 16), f32),
        ],
    )(inputs_3, outputs_2, outputs_3)

    TN = 512
    nn = N // TN
    idx = pl.pallas_call(
        _nearest_body,
        grid=(B, nn),
        in_specs=[
            pl.BlockSpec((1, TN, 3), lambda b, i: (b, i, 0)),
            pl.BlockSpec((1, M, 6), lambda b, i: (b, 0, 0)),
        ],
        out_specs=pl.BlockSpec((1, 1, TN), lambda b, i: (b * nn + i, 0, 0)),
        out_shape=jax.ShapeDtypeStruct((B * nn, 1, TN), jnp.int32),
    )(pts, inputs_3)
    nor_gt = _sc_gather_rows(nor_table.reshape(B * M, 16),
                             idx.reshape(B * N)).reshape(B, N, 16)

    sm, lnor, lno = pl.pallas_call(
        _smooth_body,
        grid=(B,),
        in_specs=[
            pl.BlockSpec((1, N, 3), lambda b: (b, 0, 0)),
            pl.BlockSpec((1, N, 16), lambda b: (b, 0, 0)),
            pl.BlockSpec((1, N, 3), lambda b: (b, 0, 0)),
            pl.BlockSpec((1, N, 3), lambda b: (b, 0, 0)),
        ],
        out_specs=[
            pl.BlockSpec((1, 1, N), lambda b: (b, 0, 0)),
            pl.BlockSpec((1, 1, N), lambda b: (b, 0, 0)),
            pl.BlockSpec((1, 1, N), lambda b: (b, 0, 0)),
        ],
        out_shape=[
            jax.ShapeDtypeStruct((B, 1, N), f32),
            jax.ShapeDtypeStruct((B, 1, N), f32),
            jax.ShapeDtypeStruct((B, 1, N), f32),
        ],
    )(pts, nor_gt, outputs_0, outputs_1)

    scalar_out = pl.BlockSpec(memory_space=pltpu.SMEM)
    outs = pl.pallas_call(
        _finish_body,
        in_specs=[pl.BlockSpec(a.shape, lambda: (0,) * 3)
                  for a in (upr, offr, upc, offc, sm, lnor, lno)],
        out_specs=[scalar_out] * 6,
        out_shape=[jax.ShapeDtypeStruct((1, 1), f32)] * 6,
    )(upr, offr, upc, offc, sm, lnor, lno)
    (loss, loss_smooth, loss_nor, loss_charm_offset,
     loss_nor_ori, loss_charm) = [o[0, 0] for o in outs]
    return (loss, loss_smooth, loss_nor, loss_charm_offset, loss_nor_ori,
            loss_charm, loss_charm)

# --- scband reference (transcript-rebuilt; emitter-appended) ---
"""Pipeline reference for scband-ipu-criterion-85804856639872 (READ-ONLY COPY).

The authoritative reference and input builder live on the scoring server;
editing this copy changes nothing except your own understanding.
"""

import jax, jax.numpy as jnp
import numpy as np

KNN_K = 6


def batch_norm(inputs):
    inp = jnp.sqrt(jnp.sum(inputs * inputs, axis=2) + 1e-08)[:, :, None]
    return inputs / (inp + 1e-10)


def cos_sim(a, b, axis=-1, eps=1e-08):
    num = jnp.sum(a * b, axis=axis)
    na = jnp.sqrt(jnp.sum(a * a, axis=axis))
    nb = jnp.sqrt(jnp.sum(b * b, axis=axis))
    return num / jnp.maximum(na * nb, eps)


def sq_dist(src, dst):
    dist = -2.0 * jnp.matmul(src, jnp.transpose(dst, (0, 2, 1)))
    dist = dist + jnp.sum(src ** 2, axis=-1)[:, :, None]
    dist = dist + jnp.sum(dst ** 2, axis=-1)[:, None, :]
    return dist


def index_points(points, idx):
    return jax.vmap(lambda p, i: p[i])(points, idx)


def get_ori_rot90(ori, nor):
    x = ori[:, 1] * nor[:, 2] - ori[:, 2] * nor[:, 1]
    y = ori[:, 2] * nor[:, 0] - ori[:, 0] * nor[:, 2]
    z = ori[:, 0] * nor[:, 1] - ori[:, 1] * nor[:, 0]
    return jnp.stack([x, y, z], axis=1)


def get_ori_project(nor_gt, ori_pre):
    d_n = jnp.sum(nor_gt * ori_pre, axis=2)[:, :, None]
    ori_dn = nor_gt * d_n
    ori_pro = ori_pre - ori_dn
    ori_pro = batch_norm(ori_pro)
    return ori_pro, d_n


def avg_ori(group_ori, group_nor, batch_ori, batch_nor, num_nebor=KNN_K):
    batch_size = batch_ori.shape[0]
    npoints = batch_ori.shape[1]
    batch_ori_repeat = jnp.tile(batch_ori, (1, 1, num_nebor)).reshape(group_ori.shape)
    batch_nor_repeat = jnp.tile(batch_nor, (1, 1, num_nebor)).reshape(group_nor.shape)
    nor_diff = jnp.sum(group_nor * batch_nor_repeat, axis=3)
    nor_diff = jnp.exp(-nor_diff / 0.3) * 10 + 1
    nor_diff = jnp.where(nor_diff < 4, jnp.ones_like(nor_diff), jnp.ones_like(nor_diff) * 5.0)
    batch_ori_rot = get_ori_rot90(batch_ori.reshape(-1, 3), batch_nor.reshape(-1, 3)).reshape(batch_ori.shape)
    batch_ori_rot_repeat = jnp.tile(batch_ori_rot, (1, 1, num_nebor)).reshape(group_nor.shape)
    cos0 = cos_sim(group_ori, batch_ori_repeat, axis=3).reshape(batch_size, npoints, num_nebor, 1)
    cos1 = cos_sim(group_ori, batch_ori_rot_repeat, axis=3).reshape(batch_size, npoints, num_nebor, 1)
    cos = jnp.concatenate([cos0, cos1], axis=-1).reshape(batch_size, npoints, num_nebor, -1)
    cos = 1 - jnp.abs(cos)
    cos = jnp.min(cos, axis=-1)
    point_wise_loss = nor_diff * cos
    return jnp.mean(point_wise_loss)


def chamfer_distance(x, y):
    d = sq_dist(x, y)
    dist1 = jnp.min(d, axis=2)
    dist2 = jnp.min(d, axis=1)
    return dist1, dist2


def setup_inputs(seed: int = 0) -> dict:
    key = jax.random.key(seed)
    ks = jax.random.split(key, 6)
    B, N, M, U = 4, 1024, 4096, 4096
    return {
        'inputs_3': jax.random.normal(ks[0], (B, M, 6), dtype=jnp.float32),
        'outputs_0': jax.random.normal(ks[1], (B, N, 3), dtype=jnp.float32),
        'outputs_1': jax.random.normal(ks[2], (B, N, 3), dtype=jnp.float32),
        'outputs_2': jax.random.normal(ks[3], (B, U, 3), dtype=jnp.float32),
        'outputs_3': jax.random.normal(ks[4], (B, U, 3), dtype=jnp.float32),
        'pts': jax.random.normal(ks[5], (B, N, 3), dtype=jnp.float32),
        'epoch': 1,
    }


def _forward(inputs_3, outputs_0, outputs_1, outputs_2, outputs_3, pts):
    ori_pre = batch_norm(outputs_0)
    nor_pre = batch_norm(outputs_1)
    xyz_up = outputs_2
    pts3 = pts[:, :, 0:3]
    xyz_gt = inputs_3[:, :, 0:3]
    xyz_nor = inputs_3[:, :, 3:6]
    # ori-loss: nearest gt point lookup
    index = jnp.argmin(sq_dist(pts3, xyz_gt), axis=2)
    nor_gt = index_points(xyz_nor, index)
    ori_pro, d_n = get_ori_project(nor_gt, ori_pre)
    # kNN smoothing of the field
    dself = sq_dist(pts3, pts3)
    _, idx = jax.lax.top_k(-dself, KNN_K)  # [B, N, k]
    group_ori = index_points(ori_pro, idx)
    group_nor = index_points(nor_gt, idx)
    loss_smooth = avg_ori(group_ori, group_nor, ori_pro, nor_gt)
    # normal estimation
    loss_nor = jnp.mean(1 - jnp.abs(cos_sim(nor_gt, nor_pre, axis=2)))
    # stage12_nor (computed in original but unused)
    index_1 = jnp.argmin(sq_dist(xyz_up, xyz_gt), axis=2)
    nor_gt_1 = index_points(xyz_nor, index_1)
    # chamfer distance losses
    xyz_offset = outputs_3
    dist1_offset, dist2_offset = chamfer_distance(xyz_offset, xyz_gt)
    loss_charm_offset = jnp.mean(dist1_offset) + jnp.mean(dist2_offset)
    dist1, dist2 = chamfer_distance(xyz_up, xyz_gt)
    loss_charm = jnp.mean(dist1) + jnp.mean(dist2)
    # nor_ori cross
    loss_nor_ori = jnp.mean(jnp.abs(jnp.sum(ori_pre * nor_gt, axis=2)))
    loss_cd = loss_charm + 0.4 * loss_charm_offset
    loss = loss_smooth + loss_nor + 0.1 * loss_nor_ori + 200 * loss_cd
    return (loss, loss_smooth, loss_nor, loss_charm_offset, loss_nor_ori, loss_charm, loss_charm)


def reference(inputs_3, outputs_0, outputs_1, outputs_2, outputs_3, pts, epoch):
    return _forward(inputs_3, outputs_0, outputs_1, outputs_2, outputs_3, pts)

if __name__ == "__main__":
    import jax
    _d = setup_inputs()
    print(jax.jit(kernel)(*tuple(_d.values())))

</pallas_src>

<mosaic_0001>
#map = affine_map<(d0, d1) -> (0, 0)>
#map1 = affine_map<(d0, d1) -> (0)>
module attributes {stable_mosaic.version = 14 : i64} {
  func.func @k(%arg0: i32, %arg1: i32, %arg2: memref<16384x16xf32, #tpu.memory_space<hbm>>, %arg3: memref<4096xi32, #tpu.memory_space<hbm>>, %arg4: memref<4096x16xf32, #tpu.memory_space<hbm>>, %arg5: memref<256xi32, #tpu.memory_space<vmem>>, %arg6: memref<256x16xf32, #tpu.memory_space<vmem>>, %arg7: memref<!tpu.dma_semaphore, #tpu.memory_space<semaphore_mem>>) attributes {dimension_semantics = [#tpu.dimension_semantics<core_parallel>, #tpu.dimension_semantics<subcore_parallel>], iteration_bounds = array<i64: 1, 16>, scalar_prefetch = 0 : i64, scratch_operands = 3 : i64, tpu.core_type = #tpu.core_type<sc_vector_subcore>, window_params = [{transform_indices = #map}, {transform_indices = #map1}, {transform_indices = #map}]} {
    %mul3A = arith.constant 1 : i32
    %mul3A_0 = arith.muli %arg1, %mul3A : i32
    %add3A = arith.addi %mul3A_0, %arg0 : i32
    %mul3A_1 = arith.constant 256 : i32
    %mul3A_2 = arith.muli %add3A, %mul3A_1 : i32
    "tpu.region"() ({
      %run_scoped3A = tpu.sem_alloc : memref<!tpu.dma_semaphore, #tpu.memory_space<semaphore_mem>>
      %dma_start3A_7 = tpu.memref_slice %arg3[%mul3A_2] : memref<4096xi32, #tpu.memory_space<hbm>> -> memref<256xi32, #tpu.memory_space<hbm>>
      %dma_start3A_8 = tpu.memref_slice %arg3[%mul3A_2] : memref<4096xi32, #tpu.memory_space<hbm>> -> memref<256xi32, #tpu.memory_space<hbm>>
      tpu.enqueue_dma source(%dma_start3A_8 : memref<256xi32, #tpu.memory_space<hbm>>) target(%arg5 : memref<256xi32, #tpu.memory_space<vmem>>) target_semaphore(%run_scoped3A : memref<!tpu.dma_semaphore, #tpu.memory_space<semaphore_mem>>)
      %dma_wait3A_9 = tpu.memref_slice %arg3[%mul3A_2] : memref<4096xi32, #tpu.memory_space<hbm>> -> memref<256xi32, #tpu.memory_space<hbm>>
      %dma_wait3A_10 = tpu.memref_slice %arg3[%mul3A_2] : memref<4096xi32, #tpu.memory_space<hbm>> -> memref<256xi32, #tpu.memory_space<hbm>>
      tpu.wait_dma2 semaphore(%run_scoped3A : memref<!tpu.dma_semaphore, #tpu.memory_space<semaphore_mem>>) src(%dma_wait3A_10 : memref<256xi32, #tpu.memory_space<hbm>>) dst(%arg5 : memref<256xi32, #tpu.memory_space<vmem>>)
      tpu.yield
    }) : () -> ()
    %dma_start3A = arith.constant 0 : i32
    %dma_start3A_3 = arith.constant 0 : i32
    %dma_start3A_4 = tpu.memref_slice %arg2[%dma_start3A, %dma_start3A_3] : memref<16384x16xf32, #tpu.memory_space<hbm>> -> memref<16384x16xf32, #tpu.memory_space<hbm>>
    tpu.enqueue_indirect_dma source(%dma_start3A_4 : memref<16384x16xf32, #tpu.memory_space<hbm>>) target(%arg6 : memref<256x16xf32, #tpu.memory_space<vmem>>) offsets(%arg5 : memref<256xi32, #tpu.memory_space<vmem>>) semaphore(%arg7 : memref<!tpu.dma_semaphore, #tpu.memory_space<semaphore_mem>>)
    %dma_wait3A = arith.constant 0 : i32
    %dma_wait3A_5 = arith.constant 0 : i32
    %dma_wait3A_6 = tpu.memref_slice %arg2[%dma_wait3A, %dma_wait3A_5] : memref<16384x16xf32, #tpu.memory_space<hbm>> -> memref<16384x16xf32, #tpu.memory_space<hbm>>
    tpu.wait_indirect_dma semaphore(%arg7 : memref<!tpu.dma_semaphore, #tpu.memory_space<semaphore_mem>>) src(%dma_wait3A_6 : memref<16384x16xf32, #tpu.memory_space<hbm>>) dst(%arg6 : memref<256x16xf32, #tpu.memory_space<vmem>>)
    "tpu.region"() ({
      %run_scoped3A = tpu.sem_alloc : memref<!tpu.dma_semaphore, #tpu.memory_space<semaphore_mem>>
      %dma_start3A_7 = arith.constant 0 : i32
      %dma_start3A_8 = tpu.memref_slice %arg4[%mul3A_2, %dma_start3A_7] : memref<4096x16xf32, #tpu.memory_space<hbm>> -> memref<256x16xf32, #tpu.memory_space<hbm>>
      %dma_start3A_9 = arith.constant 0 : i32
      %dma_start3A_10 = tpu.memref_slice %arg4[%mul3A_2, %dma_start3A_9] : memref<4096x16xf32, #tpu.memory_space<hbm>> -> memref<256x16xf32, #tpu.memory_space<hbm>>
      tpu.enqueue_dma source(%arg6 : memref<256x16xf32, #tpu.memory_space<vmem>>) target(%dma_start3A_10 : memref<256x16xf32, #tpu.memory_space<hbm>>) target_semaphore(%run_scoped3A : memref<!tpu.dma_semaphore, #tpu.memory_space<semaphore_mem>>)
      %dma_wait3A_11 = arith.constant 0 : i32
      %dma_wait3A_12 = tpu.memref_slice %arg4[%mul3A_2, %dma_wait3A_11] : memref<4096x16xf32, #tpu.memory_space<hbm>> -> memref<256x16xf32, #tpu.memory_space<hbm>>
      %dma_wait3A_13 = arith.constant 0 : i32
      %dma_wait3A_14 = tpu.memref_slice %arg4[%mul3A_2, %dma_wait3A_13] : memref<4096x16xf32, #tpu.memory_space<hbm>> -> memref<256x16xf32, #tpu.memory_space<hbm>>
      tpu.wait_dma2 semaphore(%run_scoped3A : memref<!tpu.dma_semaphore, #tpu.memory_space<semaphore_mem>>) src(%arg6 : memref<256x16xf32, #tpu.memory_space<vmem>>) dst(%dma_wait3A_14 : memref<256x16xf32, #tpu.memory_space<hbm>>)
      tpu.yield
    }) : () -> ()
    return
  }
}

module attributes {stable_mosaic.version = 14 : i64} {
  func.func @_chamfer_body(%arg0: i32, %arg1: i32, %arg2: memref<1x4096x6xf32, #tpu.memory_space<vmem>>, %arg3: memref<1x1024x3xf32, #tpu.memory_space<vmem>>, %arg4: memref<1x1024x3xf32, #tpu.memory_space<vmem>>, %arg5: memref<1x1x1024xf32, #tpu.memory_space<vmem>>, %arg6: memref<1x1x1024xf32, #tpu.memory_space<vmem>>, %arg7: memref<1x1x4096xf32, #tpu.memory_space<vmem>>, %arg8: memref<1x1x4096xf32, #tpu.memory_space<vmem>>, %arg9: memref<1x4096x16xf32, #tpu.memory_space<vmem>>) attributes {dimension_semantics = [#tpu.dimension_semantics<arbitrary>, #tpu.dimension_semantics<arbitrary>], iteration_bounds = array<i64: 4, 4>, scalar_prefetch = 0 : i64, scratch_operands = 0 : i64, tpu.core_type = #tpu.core_type<tc>, window_params = [{transform_indices = @transform_0, window_bounds = array<i64: 1, 4096, 6>}, {transform_indices = @transform_1, window_bounds = array<i64: 1, 1024, 3>}, {transform_indices = @transform_2, window_bounds = array<i64: 1, 1024, 3>}, {transform_indices = @transform_3, window_bounds = array<i64: 1, 1, 1024>}, {transform_indices = @transform_4, window_bounds = array<i64: 1, 1, 1024>}, {transform_indices = @transform_5, window_bounds = array<i64: 1, 1, 4096>}, {transform_indices = @transform_6, window_bounds = array<i64: 1, 1, 4096>}, {transform_indices = @transform_7, window_bounds = array<i64: 1, 4096, 16>}]} {
    %get3A = arith.constant 0 : index
    %get3A_0 = arith.constant 0 : index
    %get3A_1 = arith.constant 0 : index
    %get3A_2 = vector.load %arg2[%get3A, %get3A_0, %get3A_1] : memref<1x4096x6xf32, #tpu.memory_space<vmem>>, vector<1x4096x6xf32>
    %get3A_3 = vector.shape_cast %get3A_2 : vector<1x4096x6xf32> to vector<4096x6xf32>
    %slice3A = vector.extract_strided_slice %get3A_3 {offsets = [0, 0], sizes = [4096, 3], strides = [1, 1]} : vector<4096x6xf32> to vector<4096x3xf32>
    %mul3A = arith.mulf %slice3A, %slice3A : vector<4096x3xf32>
    %reduce_sum3A = arith.constant dense<0.000000e+00> : vector<4096xf32>
    %reduce_sum3A_4 = vector.multi_reduction <add>, %mul3A, %reduce_sum3A [1] : vector<4096x3xf32> to vector<4096xf32>
    %eq3A = arith.constant 0 : i32
    %eq3A_5 = arith.cmpi eq, %arg1, %eq3A : i32
    %convert_element_type3A = arith.extui %eq3A_5 : i1 to i32
    %cond3A = arith.constant 0 : i32
    %cond3A_6 = arith.cmpi ne, %convert_element_type3A, %cond3A : i32
    scf.if %cond3A_6 {
      %slice3A_78 = vector.extract_strided_slice %get3A_3 {offsets = [0, 3], sizes = [4096, 3], strides = [1, 1]} : vector<4096x6xf32> to vector<4096x3xf32>
      %broadcast_in_dim3A_79 = arith.constant 0.000000e+00 : f32
      %broadcast_in_dim3A_80 = vector.broadcast %broadcast_in_dim3A_79 : f32 to vector<4096x13xf32>
      %concatenate3A = tpu.concatenate %slice3A_78, %broadcast_in_dim3A_80 in 1 : vector<4096x3xf32>, vector<4096x13xf32> -> vector<4096x16xf32>
      %swap3A_81 = arith.constant 0 : index
      %swap3A_82 = arith.constant 0 : index
      %swap3A_83 = arith.constant 0 : index
      %swap3A_84 = vector.load %arg9[%swap3A_81, %swap3A_82, %swap3A_83] : memref<1x4096x16xf32, #tpu.memory_space<vmem>>, vector<1x4096x16xf32>
      %swap3A_85 = vector.shape_cast %swap3A_84 : vector<1x4096x16xf32> to vector<4096x16xf32>
      %swap3A_86 = vector.shape_cast %concatenate3A : vector<4096x16xf32> to vector<1x4096x16xf32>
      tpu.vector_store %arg9[%swap3A_81, %swap3A_82, %swap3A_83], %swap3A_86 {strides = array<i32>} : memref<1x4096x16xf32, #tpu.memory_space<vmem>>, vector<1x4096x16xf32>,
    } else {
    }
    %get3A_7 = arith.constant 0 : index
    %get3A_8 = arith.constant 0 : index
    %get3A_9 = arith.constant 0 : index
    %get3A_10 = vector.load %arg3[%get3A_7, %get3A_8, %get3A_9] : memref<1x1024x3xf32, #tpu.memory_space<vmem>>, vector<1x1024x3xf32>
    %get3A_11 = vector.shape_cast %get3A_10 : vector<1x1024x3xf32> to vector<1024x3xf32>
    %mul3A_12 = arith.mulf %get3A_11, %get3A_11 : vector<1024x3xf32>
    %reduce_sum3A_13 = arith.constant dense<0.000000e+00> : vector<1024xf32>
    %reduce_sum3A_14 = vector.multi_reduction <add>, %mul3A_12, %reduce_sum3A_13 [1] : vector<1024x3xf32> to vector<1024xf32>
    %broadcast_in_dim3A = vector.shape_cast %reduce_sum3A_14 : vector<1024xf32> to vector<1024x1xf32>
    %broadcast_in_dim3A_15 = vector.shape_cast %reduce_sum3A_4 : vector<4096xf32> to vector<1x4096xf32>
    %add3A = vector.broadcast %broadcast_in_dim3A : vector<1024x1xf32> to vector<1024x4096xf32>
    %add3A_16 = vector.broadcast %broadcast_in_dim3A_15 : vector<1x4096xf32> to vector<1024x4096xf32>
    %add3A_17 = arith.addf %add3A, %add3A_16 : vector<1024x4096xf32>
    %dot_general3A = arith.constant dense<0.000000e+00> : vector<1024x4096xf32>
    %dot_general3A_18 = tpu.matmul %get3A_11, %slice3A, %dot_general3A {dimension_numbers = #tpu.dot_dimension_numbers<[1], [1], [0], [0], [0, 0, 1, 0], [], []>, transpose_lhs_hint = false} : vector<1024x3xf32>, vector<4096x3xf32>, vector<1024x4096xf32> -> vector<1024x4096xf32>
    %mul3A_19 = arith.constant 2.000000e+00 : f32
    %mul3A_20 = vector.broadcast %mul3A_19 : f32 to vector<1024x4096xf32>
    %mul3A_21 = arith.mulf %mul3A_20, %dot_general3A_18 : vector<1024x4096xf32>
    %sub3A = arith.subf %add3A_17, %mul3A_21 : vector<1024x4096xf32>
    %reduce_min3A = arith.constant dense<0x7F800000> : vector<1024xf32>
    %reduce_min3A_22 = vector.multi_reduction <minimumf>, %sub3A, %reduce_min3A [1] : vector<1024x4096xf32> to vector<1024xf32>
    %swap3A = arith.constant 0 : index
    %swap3A_23 = arith.constant 0 : index
    %swap3A_24 = arith.constant 0 : index
    %swap3A_25 = vector.load %arg5[%swap3A, %swap3A_23, %swap3A_24] : memref<1x1x1024xf32, #tpu.memory_space<vmem>>, vector<1x1x1024xf32>
    %swap3A_26 = vector.shape_cast %swap3A_25 : vector<1x1x1024xf32> to vector<1024xf32>
    %swap3A_27 = vector.shape_cast %reduce_min3A_22 : vector<1024xf32> to vector<1x1x1024xf32>
    tpu.vector_store %arg5[%swap3A, %swap3A_23, %swap3A_24], %swap3A_27 {strides = array<i32>} : memref<1x1x1024xf32, #tpu.memory_space<vmem>>, vector<1x1x1024xf32>,
    %reduce_min3A_28 = arith.constant dense<0x7F800000> : vector<4096xf32>
    %reduce_min3A_29 = vector.multi_reduction <minimumf>, %sub3A, %reduce_min3A_28 [0] : vector<1024x4096xf32> to vector<4096xf32>
    %eq3A_30 = arith.constant 0 : i32
    %eq3A_31 = arith.cmpi eq, %arg1, %eq3A_30 : i32
    %convert_element_type3A_32 = arith.extui %eq3A_31 : i1 to i32
    %cond3A_33 = arith.constant 0 : i32
    %cond3A_34 = arith.cmpi ne, %convert_element_type3A_32, %cond3A_33 : i32
    scf.if %cond3A_34 {
      %swap3A_78 = arith.constant 0 : index
      %swap3A_79 = arith.constant 0 : index
      %swap3A_80 = arith.constant 0 : index
      %swap3A_81 = vector.load %arg7[%swap3A_78, %swap3A_79, %swap3A_80] : memref<1x1x4096xf32, #tpu.memory_space<vmem>>, vector<1x1x4096xf32>
      %swap3A_82 = vector.shape_cast %swap3A_81 : vector<1x1x4096xf32> to vector<4096xf32>
      %swap3A_83 = vector.shape_cast %reduce_min3A_29 : vector<4096xf32> to vector<1x1x4096xf32>
      tpu.vector_store %arg7[%swap3A_78, %swap3A_79, %swap3A_80], %swap3A_83 {strides = array<i32>} : memref<1x1x4096xf32, #tpu.memory_space<vmem>>, vector<1x1x4096xf32>,
    } else {
    }
    %ne3A = arith.constant 0 : i32
    %ne3A_35 = arith.cmpi ne, %arg1, %ne3A : i32
    %convert_element_type3A_36 = arith.extui %ne3A_35 : i1 to i32
    %cond3A_37 = arith.constant 0 : i32
    %cond3A_38 = arith.cmpi ne, %convert_element_type3A_36, %cond3A_37 : i32
    scf.if %cond3A_38 {
      %get3A_78 = arith.constant 0 : index
      %get3A_79 = arith.constant 0 : index
      %get3A_80 = arith.constant 0 : index
      %get3A_81 = vector.load %arg7[%get3A_78, %get3A_79, %get3A_80] : memref<1x1x4096xf32, #tpu.memory_space<vmem>>, vector<1x1x4096xf32>
      %get3A_82 = vector.shape_cast %get3A_81 : vector<1x1x4096xf32> to vector<4096xf32>
      %min3A = arith.minimumf %get3A_82, %reduce_min3A_29 : vector<4096xf32>
      %swap3A_83 = arith.constant 0 : index
      %swap3A_84 = arith.constant 0 : index
      %swap3A_85 = arith.constant 0 : index
      %swap3A_86 = vector.load %arg7[%swap3A_83, %swap3A_84, %swap3A_85] : memref<1x1x4096xf32, #tpu.memory_space<vmem>>, vector<1x1x4096xf32>
      %swap3A_87 = vector.shape_cast %swap3A_86 : vector<1x1x4096xf32> to vector<4096xf32>
      %swap3A_88 = vector.shape_cast %min3A : vector<4096xf32> to vector<1x1x4096xf32>
      tpu.vector_store %arg7[%swap3A_83, %swap3A_84, %swap3A_85], %swap3A_88 {strides = array<i32>} : memref<1x1x4096xf32, #tpu.memory_space<vmem>>, vector<1x1x4096xf32>,
    } else {
    }
    %get3A_39 = arith.constant 0 : index
    %get3A_40 = arith.constant 0 : index
    %get3A_41 = arith.constant 0 : index
    %get3A_42 = vector.load %arg4[%get3A_39, %get3A_40, %get3A_41] : memref<1x1024x3xf32, #tpu.memory_space<vmem>>, vector<1x1024x3xf32>
    %get3A_43 = vector.shape_cast %get3A_42 : vector<1x1024x3xf32> to vector<1024x3xf32>
    %mul3A_44 = arith.mulf %get3A_43, %get3A_43 : vector<1024x3xf32>
    %reduce_sum3A_45 = arith.constant dense<0.000000e+00> : vector<1024xf32>
    %reduce_sum3A_46 = vector.multi_reduction <add>, %mul3A_44, %reduce_sum3A_45 [1] : vector<1024x3xf32> to vector<1024xf32>
    %broadcast_in_dim3A_47 = vector.shape_cast %reduce_sum3A_46 : vector<1024xf32> to vector<1024x1xf32>
    %broadcast_in_dim3A_48 = vector.shape_cast %reduce_sum3A_4 : vector<4096xf32> to vector<1x4096xf32>
    %add3A_49 = vector.broadcast %broadcast_in_dim3A_47 : vector<1024x1xf32> to vector<1024x4096xf32>
    %add3A_50 = vector.broadcast %broadcast_in_dim3A_48 : vector<1x4096xf32> to vector<1024x4096xf32>
    %add3A_51 = arith.addf %add3A_49, %add3A_50 : vector<1024x4096xf32>
    %dot_general3A_52 = arith.constant dense<0.000000e+00> : vector<1024x4096xf32>
    %dot_general3A_53 = tpu.matmul %get3A_43, %slice3A, %dot_general3A_52 {dimension_numbers = #tpu.dot_dimension_numbers<[1], [1], [0], [0], [0, 0, 1, 0], [], []>, transpose_lhs_hint = false} : vector<1024x3xf32>, vector<4096x3xf32>, vector<1024x4096xf32> -> vector<1024x4096xf32>
    %mul3A_54 = arith.constant 2.000000e+00 : f32
    %mul3A_55 = vector.broadcast %mul3A_54 : f32 to vector<1024x4096xf32>
    %mul3A_56 = arith.mulf %mul3A_55, %dot_general3A_53 : vector<1024x4096xf32>
    %sub3A_57 = arith.subf %add3A_51, %mul3A_56 : vector<1024x4096xf32>
    %reduce_min3A_58 = arith.constant dense<0x7F800000> : vector<1024xf32>
    %reduce_min3A_59 = vector.multi_reduction <minimumf>, %sub3A_57, %reduce_min3A_58 [1] : vector<1024x4096xf32> to vector<1024xf32>
    %swap3A_60 = arith.constant 0 : index
    %swap3A_61 = arith.constant 0 : index
    %swap3A_62 = arith.constant 0 : index
    %swap3A_63 = vector.load %arg6[%swap3A_60, %swap3A_61, %swap3A_62] : memref<1x1x1024xf32, #tpu.memory_space<vmem>>, vector<1x1x1024xf32>
    %swap3A_64 = vector.shape_cast %swap3A_63 : vector<1x1x1024xf32> to vector<1024xf32>
    %swap3A_65 = vector.shape_cast %reduce_min3A_59 : vector<1024xf32> to vector<1x1x1024xf32>
    tpu.vector_store %arg6[%swap3A_60, %swap3A_61, %swap3A_62], %swap3A_65 {strides = array<i32>} : memref<1x1x1024xf32, #tpu.memory_space<vmem>>, vector<1x1x1024xf32>,
    %reduce_min3A_66 = arith.constant dense<0x7F800000> : vector<4096xf32>
    %reduce_min3A_67 = vector.multi_reduction <minimumf>, %sub3A_57, %reduce_min3A_66 [0] : vector<1024x4096xf32> to vector<4096xf32>
    %eq3A_68 = arith.constant 0 : i32
    %eq3A_69 = arith.cmpi eq, %arg1, %eq3A_68 : i32
    %convert_element_type3A_70 = arith.extui %eq3A_69 : i1 to i32
    %cond3A_71 = arith.constant 0 : i32
    %cond3A_72 = arith.cmpi ne, %convert_element_type3A_70, %cond3A_71 : i32
    scf.if %cond3A_72 {
      %swap3A_78 = arith.constant 0 : index
      %swap3A_79 = arith.constant 0 : index
      %swap3A_80 = arith.constant 0 : index
      %swap3A_81 = vector.load %arg8[%swap3A_78, %swap3A_79, %swap3A_80] : memref<1x1x4096xf32, #tpu.memory_space<vmem>>, vector<1x1x4096xf32>
      %swap3A_82 = vector.shape_cast %swap3A_81 : vector<1x1x4096xf32> to vector<4096xf32>
      %swap3A_83 = vector.shape_cast %reduce_min3A_67 : vector<4096xf32> to vector<1x1x4096xf32>
      tpu.vector_store %arg8[%swap3A_78, %swap3A_79, %swap3A_80], %swap3A_83 {strides = array<i32>} : memref<1x1x4096xf32, #tpu.memory_space<vmem>>, vector<1x1x4096xf32>,
    } else {
    }
    %ne3A_73 = arith.constant 0 : i32
    %ne3A_74 = arith.cmpi ne, %arg1, %ne3A_73 : i32
    %convert_element_type3A_75 = arith.extui %ne3A_74 : i1 to i32
    %cond3A_76 = arith.constant 0 : i32
    %cond3A_77 = arith.cmpi ne, %convert_element_type3A_75, %cond3A_76 : i32
    scf.if %cond3A_77 {
      %get3A_78 = arith.constant 0 : index
      %get3A_79 = arith.constant 0 : index
      %get3A_80 = arith.constant 0 : index
      %get3A_81 = vector.load %arg8[%get3A_78, %get3A_79, %get3A_80] : memref<1x1x4096xf32, #tpu.memory_space<vmem>>, vector<1x1x4096xf32>
      %get3A_82 = vector.shape_cast %get3A_81 : vector<1x1x4096xf32> to vector<4096xf32>
      %min3A = arith.minimumf %get3A_82, %reduce_min3A_67 : vector<4096xf32>
      %swap3A_83 = arith.constant 0 : index
      %swap3A_84 = arith.constant 0 : index
      %swap3A_85 = arith.constant 0 : index
      %swap3A_86 = vector.load %arg8[%swap3A_83, %swap3A_84, %swap3A_85] : memref<1x1x4096xf32, #tpu.memory_space<vmem>>, vector<1x1x4096xf32>
      %swap3A_87 = vector.shape_cast %swap3A_86 : vector<1x1x4096xf32> to vector<4096xf32>
      %swap3A_88 = vector.shape_cast %min3A : vector<4096xf32> to vector<1x1x4096xf32>
      tpu.vector_store %arg8[%swap3A_83, %swap3A_84, %swap3A_85], %swap3A_88 {strides = array<i32>} : memref<1x1x4096xf32, #tpu.memory_space<vmem>>, vector<1x1x4096xf32>,
    } else {
    }
    return
  }
  func.func @transform_0(%arg0: i32, %arg1: i32) -> (i32, i32, i32) {
    %c0_i32 = arith.constant 0 : i32
    %c0_i32_0 = arith.constant 0 : i32
    %c0_i32_1 = arith.constant 0 : i32
    return %arg0, %c0_i32, %c0_i32_0 : i32, i32, i32
  }
  func.func @transform_1(%arg0: i32, %arg1: i32) -> (i32, i32, i32) {
    %c0_i32 = arith.constant 0 : i32
    %c0_i32_0 = arith.constant 0 : i32
    return %arg0, %arg1, %c0_i32 : i32, i32, i32
  }
  func.func @transform_2(%arg0: i32, %arg1: i32) -> (i32, i32, i32) {
    %c0_i32 = arith.constant 0 : i32
    %c0_i32_0 = arith.constant 0 : i32
    return %arg0, %arg1, %c0_i32 : i32, i32, i32
  }
  func.func @transform_3(%arg0: i32, %arg1: i32) -> (i32, i32, i32) {
    %mul3A = arith.constant 4 : i32
    %mul3A_0 = arith.muli %arg0, %mul3A : i32
    %add3A = arith.addi %mul3A_0, %arg1 : i32
    %c0_i32 = arith.constant 0 : i32
    %c0_i32_1 = arith.constant 0 : i32
    %c0_i32_2 = arith.constant 0 : i32
    return %add3A, %c0_i32, %c0_i32_1 : i32, i32, i32
  }
  func.func @transform_4(%arg0: i32, %arg1: i32) -> (i32, i32, i32) {
    %mul3A = arith.constant 4 : i32
    %mul3A_0 = arith.muli %arg0, %mul3A : i32
    %add3A = arith.addi %mul3A_0, %arg1 : i32
    %c0_i32 = arith.constant 0 : i32
    %c0_i32_1 = arith.constant 0 : i32
    %c0_i32_2 = arith.constant 0 : i32
    return %add3A, %c0_i32, %c0_i32_1 : i32, i32, i32
  }
  func.func @transform_5(%arg0: i32, %arg1: i32) -> (i32, i32, i32) {
    %c0_i32 = arith.constant 0 : i32
    %c0_i32_0 = arith.constant 0 : i32
    %c0_i32_1 = arith.constant 0 : i32
    return %arg0, %c0_i32, %c0_i32_0 : i32, i32, i32
  }
  func.func @transform_6(%arg0: i32, %arg1: i32) -> (i32, i32, i32) {
    %c0_i32 = arith.constant 0 : i32
    %c0_i32_0 = arith.constant 0 : i32
    %c0_i32_1 = arith.constant 0 : i32
    return %arg0, %c0_i32, %c0_i32_0 : i32, i32, i32
  }
  func.func @transform_7(%arg0: i32, %arg1: i32) -> (i32, i32, i32) {
    %c0_i32 = arith.constant 0 : i32
    %c0_i32_0 = arith.constant 0 : i32
    %c0_i32_1 = arith.constant 0 : i32
    return %arg0, %c0_i32, %c0_i32_0 : i32, i32, i32
  }
}

module attributes {stable_mosaic.version = 14 : i64} {
  func.func @_nearest_body(%arg0: i32, %arg1: i32, %arg2: memref<1x512x3xf32, #tpu.memory_space<vmem>>, %arg3: memref<1x4096x6xf32, #tpu.memory_space<vmem>>, %arg4: memref<1x1x512xi32, #tpu.memory_space<vmem>>) attributes {dimension_semantics = [#tpu.dimension_semantics<arbitrary>, #tpu.dimension_semantics<arbitrary>], iteration_bounds = array<i64: 4, 2>, scalar_prefetch = 0 : i64, scratch_operands = 0 : i64, tpu.core_type = #tpu.core_type<tc>, window_params = [{transform_indices = @transform_0, window_bounds = array<i64: 1, 512, 3>}, {transform_indices = @transform_1, window_bounds = array<i64: 1, 4096, 6>}, {transform_indices = @transform_2, window_bounds = array<i64: 1, 1, 512>}]} {
    %get3A = arith.constant 0 : index
    %get3A_0 = arith.constant 0 : index
    %get3A_1 = arith.constant 0 : index
    %get3A_2 = vector.load %arg3[%get3A, %get3A_0, %get3A_1] : memref<1x4096x6xf32, #tpu.memory_space<vmem>>, vector<1x4096x6xf32>
    %get3A_3 = vector.shape_cast %get3A_2 : vector<1x4096x6xf32> to vector<4096x6xf32>
    %slice3A = vector.extract_strided_slice %get3A_3 {offsets = [0, 0], sizes = [4096, 3], strides = [1, 1]} : vector<4096x6xf32> to vector<4096x3xf32>
    %get3A_4 = arith.constant 0 : index
    %get3A_5 = arith.constant 0 : index
    %get3A_6 = arith.constant 0 : index
    %get3A_7 = vector.load %arg2[%get3A_4, %get3A_5, %get3A_6] : memref<1x512x3xf32, #tpu.memory_space<vmem>>, vector<1x512x3xf32>
    %get3A_8 = vector.shape_cast %get3A_7 : vector<1x512x3xf32> to vector<512x3xf32>
    %mul3A = arith.mulf %get3A_8, %get3A_8 : vector<512x3xf32>
    %reduce_sum3A = arith.constant dense<0.000000e+00> : vector<512xf32>
    %reduce_sum3A_9 = vector.multi_reduction <add>, %mul3A, %reduce_sum3A [1] : vector<512x3xf32> to vector<512xf32>
    %broadcast_in_dim3A = vector.shape_cast %reduce_sum3A_9 : vector<512xf32> to vector<512x1xf32>
    %mul3A_10 = arith.mulf %slice3A, %slice3A : vector<4096x3xf32>
    %reduce_sum3A_11 = arith.constant dense<0.000000e+00> : vector<4096xf32>
    %reduce_sum3A_12 = vector.multi_reduction <add>, %mul3A_10, %reduce_sum3A_11 [1] : vector<4096x3xf32> to vector<4096xf32>
    %broadcast_in_dim3A_13 = vector.shape_cast %reduce_sum3A_12 : vector<4096xf32> to vector<1x4096xf32>
    %add3A = vector.broadcast %broadcast_in_dim3A : vector<512x1xf32> to vector<512x4096xf32>
    %add3A_14 = vector.broadcast %broadcast_in_dim3A_13 : vector<1x4096xf32> to vector<512x4096xf32>
    %add3A_15 = arith.addf %add3A, %add3A_14 : vector<512x4096xf32>
    %dot_general3A = arith.constant dense<0.000000e+00> : vector<512x4096xf32>
    %dot_general3A_16 = tpu.matmul %get3A_8, %slice3A, %dot_general3A {dimension_numbers = #tpu.dot_dimension_numbers<[1], [1], [0], [0], [0, 0, 1, 0], [], []>, transpose_lhs_hint = false} : vector<512x3xf32>, vector<4096x3xf32>, vector<512x4096xf32> -> vector<512x4096xf32>
    %mul3A_17 = arith.constant 2.000000e+00 : f32
    %mul3A_18 = vector.broadcast %mul3A_17 : f32 to vector<512x4096xf32>
    %mul3A_19 = arith.mulf %mul3A_18, %dot_general3A_16 : vector<512x4096xf32>
    %sub3A = arith.subf %add3A_15, %mul3A_19 : vector<512x4096xf32>
    %reduce_min3A = arith.constant dense<0x7F800000> : vector<512xf32>
    %reduce_min3A_20 = vector.multi_reduction <minimumf>, %sub3A, %reduce_min3A [1] : vector<512x4096xf32> to vector<512xf32>
    %iota3A = tpu.iota {dimensions = array<i32: 1>} : vector<512x4096xi32>
    %broadcast_in_dim3A_21 = vector.shape_cast %reduce_min3A_20 : vector<512xf32> to vector<512x1xf32>
    %eq3A = vector.broadcast %broadcast_in_dim3A_21 : vector<512x1xf32> to vector<512x4096xf32>
    %eq3A_22 = arith.cmpf oeq, %sub3A, %eq3A : vector<512x4096xf32>
    %jit3A = arith.constant 4096 : i32
    %broadcast_in_dim3A_23 = vector.broadcast %jit3A : i32 to vector<512x4096xi32>
    %select_n3A = arith.select %eq3A_22, %iota3A, %broadcast_in_dim3A_23 : vector<512x4096xi1>, vector<512x4096xi32>
    %reduce_min3A_24 = arith.constant dense<2147483647> : vector<512xi32>
    %reduce_min3A_25 = vector.multi_reduction <minsi>, %select_n3A, %reduce_min3A_24 [1] : vector<512x4096xi32> to vector<512xi32>
    %mul3A_26 = arith.constant 4096 : i32
    %mul3A_27 = arith.muli %arg0, %mul3A_26 : i32
    %add3A_28 = vector.broadcast %mul3A_27 : i32 to vector<512xi32>
    %add3A_29 = arith.addi %reduce_min3A_25, %add3A_28 : vector<512xi32>
    %swap3A = arith.constant 0 : index
    %swap3A_30 = arith.constant 0 : index
    %swap3A_31 = arith.constant 0 : index
    %swap3A_32 = vector.load %arg4[%swap3A, %swap3A_30, %swap3A_31] : memref<1x1x512xi32, #tpu.memory_space<vmem>>, vector<1x1x512xi32>
    %swap3A_33 = vector.shape_cast %swap3A_32 : vector<1x1x512xi32> to vector<512xi32>
    %swap3A_34 = vector.shape_cast %add3A_29 : vector<512xi32> to vector<1x1x512xi32>
    tpu.vector_store %arg4[%swap3A, %swap3A_30, %swap3A_31], %swap3A_34 {strides = array<i32>} : memref<1x1x512xi32, #tpu.memory_space<vmem>>, vector<1x1x512xi32>,
    return
  }
  func.func @transform_0(%arg0: i32, %arg1: i32) -> (i32, i32, i32) {
    %c0_i32 = arith.constant 0 : i32
    %c0_i32_0 = arith.constant 0 : i32
    return %arg0, %arg1, %c0_i32 : i32, i32, i32
  }
  func.func @transform_1(%arg0: i32, %arg1: i32) -> (i32, i32, i32) {
    %c0_i32 = arith.constant 0 : i32
    %c0_i32_0 = arith.constant 0 : i32
    %c0_i32_1 = arith.constant 0 : i32
    return %arg0, %c0_i32, %c0_i32_0 : i32, i32, i32
  }
  func.func @transform_2(%arg0: i32, %arg1: i32) -> (i32, i32, i32) {
    %mul3A = arith.constant 2 : i32
    %mul3A_0 = arith.muli %arg0, %mul3A : i32
    %add3A = arith.addi %mul3A_0, %arg1 : i32
    %c0_i32 = arith.constant 0 : i32
    %c0_i32_1 = arith.constant 0 : i32
    %c0_i32_2 = arith.constant 0 : i32
    return %add3A, %c0_i32, %c0_i32_1 : i32, i32, i32
  }
}

module attributes {stable_mosaic.version = 14 : i64} {
  func.func @_smooth_body(%arg0: i32, %arg1: memref<1x1024x3xf32, #tpu.memory_space<vmem>>, %arg2: memref<1x1024x16xf32, #tpu.memory_space<vmem>>, %arg3: memref<1x1024x3xf32, #tpu.memory_space<vmem>>, %arg4: memref<1x1024x3xf32, #tpu.memory_space<vmem>>, %arg5: memref<1x1x1024xf32, #tpu.memory_space<vmem>>, %arg6: memref<1x1x1024xf32, #tpu.memory_space<vmem>>, %arg7: memref<1x1x1024xf32, #tpu.memory_space<vmem>>) attributes {dimension_semantics = [#tpu.dimension_semantics<arbitrary>], iteration_bounds = array<i64: 4>, scalar_prefetch = 0 : i64, scratch_operands = 0 : i64, tpu.core_type = #tpu.core_type<tc>, window_params = [{transform_indices = @transform_0, window_bounds = array<i64: 1, 1024, 3>}, {transform_indices = @transform_1, window_bounds = array<i64: 1, 1024, 16>}, {transform_indices = @transform_2, window_bounds = array<i64: 1, 1024, 3>}, {transform_indices = @transform_3, window_bounds = array<i64: 1, 1024, 3>}, {transform_indices = @transform_4, window_bounds = array<i64: 1, 1, 1024>}, {transform_indices = @transform_5, window_bounds = array<i64: 1, 1, 1024>}, {transform_indices = @transform_6, window_bounds = array<i64: 1, 1, 1024>}]} {
    %get3A = arith.constant 0 : index
    %get3A_0 = arith.constant 0 : index
    %get3A_1 = arith.constant 0 : index
    %get3A_2 = vector.load %arg1[%get3A, %get3A_0, %get3A_1] : memref<1x1024x3xf32, #tpu.memory_space<vmem>>, vector<1x1024x3xf32>
    %get3A_3 = vector.shape_cast %get3A_2 : vector<1x1024x3xf32> to vector<1024x3xf32>
    %get3A_4 = arith.constant 0 : index
    %get3A_5 = arith.constant 0 : index
    %get3A_6 = arith.constant 0 : index
    %get3A_7 = vector.load %arg2[%get3A_4, %get3A_5, %get3A_6] : memref<1x1024x16xf32, #tpu.memory_space<vmem>>, vector<1x1024x16xf32>
    %get3A_8 = vector.shape_cast %get3A_7 : vector<1x1024x16xf32> to vector<1024x16xf32>
    %slice3A = vector.extract_strided_slice %get3A_8 {offsets = [0, 0], sizes = [1024, 3], strides = [1, 1]} : vector<1024x16xf32> to vector<1024x3xf32>
    %get3A_9 = arith.constant 0 : index
    %get3A_10 = arith.constant 0 : index
    %get3A_11 = arith.constant 0 : index
    %get3A_12 = vector.load %arg3[%get3A_9, %get3A_10, %get3A_11] : memref<1x1024x3xf32, #tpu.memory_space<vmem>>, vector<1x1024x3xf32>
    %get3A_13 = vector.shape_cast %get3A_12 : vector<1x1024x3xf32> to vector<1024x3xf32>
    %mul3A = arith.mulf %get3A_13, %get3A_13 : vector<1024x3xf32>
    %reduce_sum3A = arith.constant dense<0.000000e+00> : vector<1024xf32>
    %reduce_sum3A_14 = vector.multi_reduction <add>, %mul3A, %reduce_sum3A [1] : vector<1024x3xf32> to vector<1024xf32>
    %add3A = arith.constant 9.99999993E-9 : f32
    %add3A_15 = vector.broadcast %add3A : f32 to vector<1024xf32>
    %add3A_16 = arith.addf %reduce_sum3A_14, %add3A_15 : vector<1024xf32>
    %sqrt3A = math.sqrt %add3A_16 : vector<1024xf32>
    %broadcast_in_dim3A = vector.shape_cast %sqrt3A : vector<1024xf32> to vector<1024x1xf32>
    %add3A_17 = arith.constant 1.000000e-10 : f32
    %add3A_18 = vector.broadcast %add3A_17 : f32 to vector<1024x1xf32>
    %add3A_19 = arith.addf %broadcast_in_dim3A, %add3A_18 : vector<1024x1xf32>
    %div3A = vector.broadcast %add3A_19 : vector<1024x1xf32> to vector<1024x3xf32>
    %div3A_20 = arith.divf %get3A_13, %div3A : vector<1024x3xf32>
    %get3A_21 = arith.constant 0 : index
    %get3A_22 = arith.constant 0 : index
    %get3A_23 = arith.constant 0 : index
    %get3A_24 = vector.load %arg4[%get3A_21, %get3A_22, %get3A_23] : memref<1x1024x3xf32, #tpu.memory_space<vmem>>, vector<1x1024x3xf32>
    %get3A_25 = vector.shape_cast %get3A_24 : vector<1x1024x3xf32> to vector<1024x3xf32>
    %mul3A_26 = arith.mulf %get3A_25, %get3A_25 : vector<1024x3xf32>
    %reduce_sum3A_27 = arith.constant dense<0.000000e+00> : vector<1024xf32>
    %reduce_sum3A_28 = vector.multi_reduction <add>, %mul3A_26, %reduce_sum3A_27 [1] : vector<1024x3xf32> to vector<1024xf32>
    %add3A_29 = arith.constant 9.99999993E-9 : f32
    %add3A_30 = vector.broadcast %add3A_29 : f32 to vector<1024xf32>
    %add3A_31 = arith.addf %reduce_sum3A_28, %add3A_30 : vector<1024xf32>
    %sqrt3A_32 = math.sqrt %add3A_31 : vector<1024xf32>
    %broadcast_in_dim3A_33 = vector.shape_cast %sqrt3A_32 : vector<1024xf32> to vector<1024x1xf32>
    %add3A_34 = arith.constant 1.000000e-10 : f32
    %add3A_35 = vector.broadcast %add3A_34 : f32 to vector<1024x1xf32>
    %add3A_36 = arith.addf %broadcast_in_dim3A_33, %add3A_35 : vector<1024x1xf32>
    %div3A_37 = vector.broadcast %add3A_36 : vector<1024x1xf32> to vector<1024x3xf32>
    %div3A_38 = arith.divf %get3A_25, %div3A_37 : vector<1024x3xf32>
    %mul3A_39 = arith.mulf %slice3A, %div3A_20 : vector<1024x3xf32>
    %reduce_sum3A_40 = arith.constant dense<0.000000e+00> : vector<1024xf32>
    %reduce_sum3A_41 = vector.multi_reduction <add>, %mul3A_39, %reduce_sum3A_40 [1] : vector<1024x3xf32> to vector<1024xf32>
    %broadcast_in_dim3A_42 = vector.shape_cast %reduce_sum3A_41 : vector<1024xf32> to vector<1024x1xf32>
    %mul3A_43 = vector.broadcast %broadcast_in_dim3A_42 : vector<1024x1xf32> to vector<1024x3xf32>
    %mul3A_44 = arith.mulf %slice3A, %mul3A_43 : vector<1024x3xf32>
    %sub3A = arith.subf %div3A_20, %mul3A_44 : vector<1024x3xf32>
    %mul3A_45 = arith.mulf %sub3A, %sub3A : vector<1024x3xf32>
    %reduce_sum3A_46 = arith.constant dense<0.000000e+00> : vector<1024xf32>
    %reduce_sum3A_47 = vector.multi_reduction <add>, %mul3A_45, %reduce_sum3A_46 [1] : vector<1024x3xf32> to vector<1024xf32>
    %add3A_48 = arith.constant 9.99999993E-9 : f32
    %add3A_49 = vector.broadcast %add3A_48 : f32 to vector<1024xf32>
    %add3A_50 = arith.addf %reduce_sum3A_47, %add3A_49 : vector<1024xf32>
    %sqrt3A_51 = math.sqrt %add3A_50 : vector<1024xf32>
    %broadcast_in_dim3A_52 = vector.shape_cast %sqrt3A_51 : vector<1024xf32> to vector<1024x1xf32>
    %add3A_53 = arith.constant 1.000000e-10 : f32
    %add3A_54 = vector.broadcast %add3A_53 : f32 to vector<1024x1xf32>
    %add3A_55 = arith.addf %broadcast_in_dim3A_52, %add3A_54 : vector<1024x1xf32>
    %div3A_56 = vector.broadcast %add3A_55 : vector<1024x1xf32> to vector<1024x3xf32>
    %div3A_57 = arith.divf %sub3A, %div3A_56 : vector<1024x3xf32>
    %mul3A_58 = arith.mulf %slice3A, %div3A_38 : vector<1024x3xf32>
    %reduce_sum3A_59 = arith.constant dense<0.000000e+00> : vector<1024xf32>
    %reduce_sum3A_60 = vector.multi_reduction <add>, %mul3A_58, %reduce_sum3A_59 [1] : vector<1024x3xf32> to vector<1024xf32>
    %mul3A_61 = arith.mulf %slice3A, %slice3A : vector<1024x3xf32>
    %reduce_sum3A_62 = arith.constant dense<0.000000e+00> : vector<1024xf32>
    %reduce_sum3A_63 = vector.multi_reduction <add>, %mul3A_61, %reduce_sum3A_62 [1] : vector<1024x3xf32> to vector<1024xf32>
    %sqrt3A_64 = math.sqrt %reduce_sum3A_63 : vector<1024xf32>
    %mul3A_65 = arith.mulf %div3A_38, %div3A_38 : vector<1024x3xf32>
    %reduce_sum3A_66 = arith.constant dense<0.000000e+00> : vector<1024xf32>
    %reduce_sum3A_67 = vector.multi_reduction <add>, %mul3A_65, %reduce_sum3A_66 [1] : vector<1024x3xf32> to vector<1024xf32>
    %sqrt3A_68 = math.sqrt %reduce_sum3A_67 : vector<1024xf32>
    %mul3A_69 = arith.mulf %sqrt3A_64, %sqrt3A_68 : vector<1024xf32>
    %max3A = arith.constant 9.99999993E-9 : f32
    %max3A_70 = vector.broadcast %max3A : f32 to vector<1024xf32>
    %max3A_71 = arith.maximumf %mul3A_69, %max3A_70 : vector<1024xf32>
    %div3A_72 = arith.divf %reduce_sum3A_60, %max3A_71 : vector<1024xf32>
    %abs3A = math.absf %div3A_72 : vector<1024xf32>
    %sub3A_73 = arith.constant 1.000000e+00 : f32
    %sub3A_74 = vector.broadcast %sub3A_73 : f32 to vector<1024xf32>
    %sub3A_75 = arith.subf %sub3A_74, %abs3A : vector<1024xf32>
    %swap3A = arith.constant 0 : index
    %swap3A_76 = arith.constant 0 : index
    %swap3A_77 = arith.constant 0 : index
    %swap3A_78 = vector.load %arg6[%swap3A, %swap3A_76, %swap3A_77] : memref<1x1x1024xf32, #tpu.memory_space<vmem>>, vector<1x1x1024xf32>
    %swap3A_79 = vector.shape_cast %swap3A_78 : vector<1x1x1024xf32> to vector<1024xf32>
    %swap3A_80 = vector.shape_cast %sub3A_75 : vector<1024xf32> to vector<1x1x1024xf32>
    tpu.vector_store %arg6[%swap3A, %swap3A_76, %swap3A_77], %swap3A_80 {strides = array<i32>} : memref<1x1x1024xf32, #tpu.memory_space<vmem>>, vector<1x1x1024xf32>,
    %squeeze3A = vector.shape_cast %broadcast_in_dim3A_42 : vector<1024x1xf32> to vector<1024xf32>
    %abs3A_81 = math.absf %squeeze3A : vector<1024xf32>
    %swap3A_82 = arith.constant 0 : index
    %swap3A_83 = arith.constant 0 : index
    %swap3A_84 = arith.constant 0 : index
    %swap3A_85 = vector.load %arg7[%swap3A_82, %swap3A_83, %swap3A_84] : memref<1x1x1024xf32, #tpu.memory_space<vmem>>, vector<1x1x1024xf32>
    %swap3A_86 = vector.shape_cast %swap3A_85 : vector<1x1x1024xf32> to vector<1024xf32>
    %swap3A_87 = vector.shape_cast %abs3A_81 : vector<1024xf32> to vector<1x1x1024xf32>
    tpu.vector_store %arg7[%swap3A_82, %swap3A_83, %swap3A_84], %swap3A_87 {strides = array<i32>} : memref<1x1x1024xf32, #tpu.memory_space<vmem>>, vector<1x1x1024xf32>,
    %slice3A_88 = vector.extract_strided_slice %div3A_57 {offsets = [0, 0], sizes = [1024, 1], strides = [1, 1]} : vector<1024x3xf32> to vector<1024x1xf32>
    %squeeze3A_89 = vector.shape_cast %slice3A_88 : vector<1024x1xf32> to vector<1024xf32>
    %slice3A_90 = vector.extract_strided_slice %div3A_57 {offsets = [0, 1], sizes = [1024, 1], strides = [1, 1]} : vector<1024x3xf32> to vector<1024x1xf32>
    %squeeze3A_91 = vector.shape_cast %slice3A_90 : vector<1024x1xf32> to vector<1024xf32>
    %slice3A_92 = vector.extract_strided_slice %div3A_57 {offsets = [0, 2], sizes = [1024, 1], strides = [1, 1]} : vector<1024x3xf32> to vector<1024x1xf32>
    %squeeze3A_93 = vector.shape_cast %slice3A_92 : vector<1024x1xf32> to vector<1024xf32>
    %slice3A_94 = vector.extract_strided_slice %slice3A {offsets = [0, 0], sizes = [1024, 1], strides = [1, 1]} : vector<1024x3xf32> to vector<1024x1xf32>
    %squeeze3A_95 = vector.shape_cast %slice3A_94 : vector<1024x1xf32> to vector<1024xf32>
    %slice3A_96 = vector.extract_strided_slice %slice3A {offsets = [0, 1], sizes = [1024, 1], strides = [1, 1]} : vector<1024x3xf32> to vector<1024x1xf32>
    %squeeze3A_97 = vector.shape_cast %slice3A_96 : vector<1024x1xf32> to vector<1024xf32>
    %slice3A_98 = vector.extract_strided_slice %slice3A {offsets = [0, 2], sizes = [1024, 1], strides = [1, 1]} : vector<1024x3xf32> to vector<1024x1xf32>
    %squeeze3A_99 = vector.shape_cast %slice3A_98 : vector<1024x1xf32> to vector<1024xf32>
    %mul3A_100 = arith.mulf %squeeze3A_91, %squeeze3A_99 : vector<1024xf32>
    %mul3A_101 = arith.mulf %squeeze3A_93, %squeeze3A_97 : vector<1024xf32>
    %sub3A_102 = arith.subf %mul3A_100, %mul3A_101 : vector<1024xf32>
    %mul3A_103 = arith.mulf %squeeze3A_93, %squeeze3A_95 : vector<1024xf32>
    %mul3A_104 = arith.mulf %squeeze3A_89, %squeeze3A_99 : vector<1024xf32>
    %sub3A_105 = arith.subf %mul3A_103, %mul3A_104 : vector<1024xf32>
    %mul3A_106 = arith.mulf %squeeze3A_89, %squeeze3A_97 : vector<1024xf32>
    %mul3A_107 = arith.mulf %squeeze3A_91, %squeeze3A_95 : vector<1024xf32>
    %sub3A_108 = arith.subf %mul3A_106, %mul3A_107 : vector<1024xf32>
    %stack3A = vector.shape_cast %sub3A_102 : vector<1024xf32> to vector<1024x1xf32>
    %stack3A_109 = vector.shape_cast %sub3A_105 : vector<1024xf32> to vector<1024x1xf32>
    %stack3A_110 = vector.shape_cast %sub3A_108 : vector<1024xf32> to vector<1024x1xf32>
    %stack3A_111 = tpu.concatenate %stack3A, %stack3A_109, %stack3A_110 in 1 : vector<1024x1xf32>, vector<1024x1xf32>, vector<1024x1xf32> -> vector<1024x3xf32>
    %mul3A_112 = arith.mulf %get3A_3, %get3A_3 : vector<1024x3xf32>
    %reduce_sum3A_113 = arith.constant dense<0.000000e+00> : vector<1024xf32>
    %reduce_sum3A_114 = vector.multi_reduction <add>, %mul3A_112, %reduce_sum3A_113 [1] : vector<1024x3xf32> to vector<1024xf32>
    %broadcast_in_dim3A_115 = vector.shape_cast %reduce_sum3A_114 : vector<1024xf32> to vector<1024x1xf32>
    %broadcast_in_dim3A_116 = vector.shape_cast %reduce_sum3A_114 : vector<1024xf32> to vector<1x1024xf32>
    %add3A_117 = vector.broadcast %broadcast_in_dim3A_115 : vector<1024x1xf32> to vector<1024x1024xf32>
    %add3A_118 = vector.broadcast %broadcast_in_dim3A_116 : vector<1x1024xf32> to vector<1024x1024xf32>
    %add3A_119 = arith.addf %add3A_117, %add3A_118 : vector<1024x1024xf32>
    %dot_general3A = arith.constant dense<0.000000e+00> : vector<1024x1024xf32>
    %dot_general3A_120 = tpu.matmul %get3A_3, %get3A_3, %dot_general3A {dimension_numbers = #tpu.dot_dimension_numbers<[1], [1], [0], [0], [0, 0, 1, 0], [], []>, transpose_lhs_hint = false} : vector<1024x3xf32>, vector<1024x3xf32>, vector<1024x1024xf32> -> vector<1024x1024xf32>
    %mul3A_121 = arith.constant 2.000000e+00 : f32
    %mul3A_122 = vector.broadcast %mul3A_121 : f32 to vector<1024x1024xf32>
    %mul3A_123 = arith.mulf %mul3A_122, %dot_general3A_120 : vector<1024x1024xf32>
    %sub3A_124 = arith.subf %add3A_119, %mul3A_123 : vector<1024x1024xf32>
    %iota3A = tpu.iota {dimensions = array<i32: 1>} : vector<1024x1024xi32>
    %concatenate3A = tpu.concatenate %div3A_57, %slice3A in 1 : vector<1024x3xf32>, vector<1024x3xf32> -> vector<1024x6xf32>
    %broadcast_in_dim3A_125 = arith.constant 0.000000e+00 : f32
    %broadcast_in_dim3A_126 = vector.broadcast %broadcast_in_dim3A_125 : f32 to vector<1024xf32>
    %reduce_min3A = arith.constant dense<0x7F800000> : vector<1024xf32>
    %reduce_min3A_127 = vector.multi_reduction <minimumf>, %sub3A_124, %reduce_min3A [1] : vector<1024x1024xf32> to vector<1024xf32>
    %broadcast_in_dim3A_128 = vector.shape_cast %reduce_min3A_127 : vector<1024xf32> to vector<1024x1xf32>
    %eq3A = vector.broadcast %broadcast_in_dim3A_128 : vector<1024x1xf32> to vector<1024x1024xf32>
    %eq3A_129 = arith.cmpf oeq, %sub3A_124, %eq3A : vector<1024x1024xf32>
    %jit3A = arith.constant 1024 : i32
    %broadcast_in_dim3A_130 = vector.broadcast %jit3A : i32 to vector<1024x1024xi32>
    %select_n3A = arith.select %eq3A_129, %iota3A, %broadcast_in_dim3A_130 : vector<1024x1024xi1>, vector<1024x1024xi32>
    %reduce_min3A_131 = arith.constant dense<2147483647> : vector<1024xi32>
    %reduce_min3A_132 = vector.multi_reduction <minsi>, %select_n3A, %reduce_min3A_131 [1] : vector<1024x1024xi32> to vector<1024xi32>
    %broadcast_in_dim3A_133 = vector.shape_cast %reduce_min3A_132 : vector<1024xi32> to vector<1024x1xi32>
    %eq3A_134 = vector.broadcast %broadcast_in_dim3A_133 : vector<1024x1xi32> to vector<1024x1024xi32>
    %eq3A_135 = arith.cmpi eq, %eq3A_134, %iota3A : vector<1024x1024xi32>
    %jit3A_136 = arith.constant 3.000000e+38 : f32
    %broadcast_in_dim3A_137 = vector.broadcast %jit3A_136 : f32 to vector<1024x1024xf32>
    %select_n3A_138 = arith.select %eq3A_135, %broadcast_in_dim3A_137, %sub3A_124 : vector<1024x1024xi1>, vector<1024x1024xf32>
    %convert_element_type3A = arith.extui %eq3A_135 : vector<1024x1024xi1> to vector<1024x1024xi32>
    %convert_element_type3A_139 = arith.sitofp %convert_element_type3A : vector<1024x1024xi32> to vector<1024x1024xf32>
    %dot_general3A_140 = arith.constant dense<0.000000e+00> : vector<1024x6xf32>
    %dot_general3A_141 = tpu.matmul %convert_element_type3A_139, %concatenate3A, %dot_general3A_140 {dimension_numbers = #tpu.dot_dimension_numbers<[1], [0], [0], [1], [0, 0, 1, 1], [], []>, transpose_lhs_hint = false} : vector<1024x1024xf32>, vector<1024x6xf32>, vector<1024x6xf32> -> vector<1024x6xf32>
    %slice3A_142 = vector.extract_strided_slice %dot_general3A_141 {offsets = [0, 0], sizes = [1024, 3], strides = [1, 1]} : vector<1024x6xf32> to vector<1024x3xf32>
    %slice3A_143 = vector.extract_strided_slice %dot_general3A_141 {offsets = [0, 3], sizes = [1024, 3], strides = [1, 1]} : vector<1024x6xf32> to vector<1024x3xf32>
    %mul3A_144 = arith.mulf %slice3A_143, %slice3A : vector<1024x3xf32>
    %reduce_sum3A_145 = arith.constant dense<0.000000e+00> : vector<1024xf32>
    %reduce_sum3A_146 = vector.multi_reduction <add>, %mul3A_144, %reduce_sum3A_145 [1] : vector<1024x3xf32> to vector<1024xf32>
    %neg3A = arith.constant 0.000000e+00 : f32
    %neg3A_147 = vector.broadcast %neg3A : f32 to vector<1024xf32>
    %neg3A_148 = arith.subf %neg3A_147, %reduce_sum3A_146 : vector<1024xf32>
    %div3A_149 = arith.constant 3.000000e-01 : f32
    %div3A_150 = vector.broadcast %div3A_149 : f32 to vector<1024xf32>
    %div3A_151 = arith.divf %neg3A_148, %div3A_150 : vector<1024xf32>
    %exp3A = math.exp %div3A_151 : vector<1024xf32>
    %mul3A_152 = arith.constant 1.000000e+01 : f32
    %mul3A_153 = vector.broadcast %mul3A_152 : f32 to vector<1024xf32>
    %mul3A_154 = arith.mulf %exp3A, %mul3A_153 : vector<1024xf32>
    %add3A_155 = arith.constant 1.000000e+00 : f32
    %add3A_156 = vector.broadcast %add3A_155 : f32 to vector<1024xf32>
    %add3A_157 = arith.addf %mul3A_154, %add3A_156 : vector<1024xf32>
    %lt3A = arith.constant 4.000000e+00 : f32
    %lt3A_158 = vector.broadcast %lt3A : f32 to vector<1024xf32>
    %lt3A_159 = arith.cmpf olt, %add3A_157, %lt3A_158 : vector<1024xf32>
    %jit3A_160 = arith.constant 1.000000e+00 : f32
    %jit3A_161 = arith.constant 5.000000e+00 : f32
    %broadcast_in_dim3A_162 = vector.broadcast %jit3A_160 : f32 to vector<1024xf32>
    %broadcast_in_dim3A_163 = vector.broadcast %jit3A_161 : f32 to vector<1024xf32>
    %select_n3A_164 = arith.select %lt3A_159, %broadcast_in_dim3A_162, %broadcast_in_dim3A_163 : vector<1024xi1>, vector<1024xf32>
    %mul3A_165 = arith.mulf %slice3A_142, %div3A_57 : vector<1024x3xf32>
    %reduce_sum3A_166 = arith.constant dense<0.000000e+00> : vector<1024xf32>
    %reduce_sum3A_167 = vector.multi_reduction <add>, %mul3A_165, %reduce_sum3A_166 [1] : vector<1024x3xf32> to vector<1024xf32>
    %mul3A_168 = arith.mulf %slice3A_142, %slice3A_142 : vector<1024x3xf32>
    %reduce_sum3A_169 = arith.constant dense<0.000000e+00> : vector<1024xf32>
    %reduce_sum3A_170 = vector.multi_reduction <add>, %mul3A_168, %reduce_sum3A_169 [1] : vector<1024x3xf32> to vector<1024xf32>
    %sqrt3A_171 = math.sqrt %reduce_sum3A_170 : vector<1024xf32>
    %mul3A_172 = arith.mulf %div3A_57, %div3A_57 : vector<1024x3xf32>
    %reduce_sum3A_173 = arith.constant dense<0.000000e+00> : vector<1024xf32>
    %reduce_sum3A_174 = vector.multi_reduction <add>, %mul3A_172, %reduce_sum3A_173 [1] : vector<1024x3xf32> to vector<1024xf32>
    %sqrt3A_175 = math.sqrt %reduce_sum3A_174 : vector<1024xf32>
    %mul3A_176 = arith.mulf %sqrt3A_171, %sqrt3A_175 : vector<1024xf32>
    %max3A_177 = arith.constant 9.99999993E-9 : f32
    %max3A_178 = vector.broadcast %max3A_177 : f32 to vector<1024xf32>
    %max3A_179 = arith.maximumf %mul3A_176, %max3A_178 : vector<1024xf32>
    %div3A_180 = arith.divf %reduce_sum3A_167, %max3A_179 : vector<1024xf32>
    %abs3A_181 = math.absf %div3A_180 : vector<1024xf32>
    %sub3A_182 = arith.constant 1.000000e+00 : f32
    %sub3A_183 = vector.broadcast %sub3A_182 : f32 to vector<1024xf32>
    %sub3A_184 = arith.subf %sub3A_183, %abs3A_181 : vector<1024xf32>
    %mul3A_185 = arith.mulf %slice3A_142, %stack3A_111 : vector<1024x3xf32>
    %reduce_sum3A_186 = arith.constant dense<0.000000e+00> : vector<1024xf32>
    %reduce_sum3A_187 = vector.multi_reduction <add>, %mul3A_185, %reduce_sum3A_186 [1] : vector<1024x3xf32> to vector<1024xf32>
    %mul3A_188 = arith.mulf %slice3A_142, %slice3A_142 : vector<1024x3xf32>
    %reduce_sum3A_189 = arith.constant dense<0.000000e+00> : vector<1024xf32>
    %reduce_sum3A_190 = vector.multi_reduction <add>, %mul3A_188, %reduce_sum3A_189 [1] : vector<1024x3xf32> to vector<1024xf32>
    %sqrt3A_191 = math.sqrt %reduce_sum3A_190 : vector<1024xf32>
    %mul3A_192 = arith.mulf %stack3A_111, %stack3A_111 : vector<1024x3xf32>
    %reduce_sum3A_193 = arith.constant dense<0.000000e+00> : vector<1024xf32>
    %reduce_sum3A_194 = vector.multi_reduction <add>, %mul3A_192, %reduce_sum3A_193 [1] : vector<1024x3xf32> to vector<1024xf32>
    %sqrt3A_195 = math.sqrt %reduce_sum3A_194 : vector<1024xf32>
    %mul3A_196 = arith.mulf %sqrt3A_191, %sqrt3A_195 : vector<1024xf32>
    %max3A_197 = arith.constant 9.99999993E-9 : f32
    %max3A_198 = vector.broadcast %max3A_197 : f32 to vector<1024xf32>
    %max3A_199 = arith.maximumf %mul3A_196, %max3A_198 : vector<1024xf32>
    %div3A_200 = arith.divf %reduce_sum3A_187, %max3A_199 : vector<1024xf32>
    %abs3A_201 = math.absf %div3A_200 : vector<1024xf32>
    %sub3A_202 = arith.constant 1.000000e+00 : f32
    %sub3A_203 = vector.broadcast %sub3A_202 : f32 to vector<1024xf32>
    %sub3A_204 = arith.subf %sub3A_203, %abs3A_201 : vector<1024xf32>
    %min3A = arith.minimumf %sub3A_184, %sub3A_204 : vector<1024xf32>
    %mul3A_205 = arith.mulf %select_n3A_164, %min3A : vector<1024xf32>
    %add3A_206 = arith.addf %broadcast_in_dim3A_126, %mul3A_205 : vector<1024xf32>
    %reduce_min3A_207 = arith.constant dense<0x7F800000> : vector<1024xf32>
    %reduce_min3A_208 = vector.multi_reduction <minimumf>, %select_n3A_138, %reduce_min3A_207 [1] : vector<1024x1024xf32> to vector<1024xf32>
    %broadcast_in_dim3A_209 = vector.shape_cast %reduce_min3A_208 : vector<1024xf32> to vector<1024x1xf32>
    %eq3A_210 = vector.broadcast %broadcast_in_dim3A_209 : vector<1024x1xf32> to vector<1024x1024xf32>
    %eq3A_211 = arith.cmpf oeq, %select_n3A_138, %eq3A_210 : vector<1024x1024xf32>
    %jit3A_212 = arith.constant 1024 : i32
    %broadcast_in_dim3A_213 = vector.broadcast %jit3A_212 : i32 to vector<1024x1024xi32>
    %select_n3A_214 = arith.select %eq3A_211, %iota3A, %broadcast_in_dim3A_213 : vector<1024x1024xi1>, vector<1024x1024xi32>
    %reduce_min3A_215 = arith.constant dense<2147483647> : vector<1024xi32>
    %reduce_min3A_216 = vector.multi_reduction <minsi>, %select_n3A_214, %reduce_min3A_215 [1] : vector<1024x1024xi32> to vector<1024xi32>
    %broadcast_in_dim3A_217 = vector.shape_cast %reduce_min3A_216 : vector<1024xi32> to vector<1024x1xi32>
    %eq3A_218 = vector.broadcast %broadcast_in_dim3A_217 : vector<1024x1xi32> to vector<1024x1024xi32>
    %eq3A_219 = arith.cmpi eq, %eq3A_218, %iota3A : vector<1024x1024xi32>
    %jit3A_220 = arith.constant 3.000000e+38 : f32
    %broadcast_in_dim3A_221 = vector.broadcast %jit3A_220 : f32 to vector<1024x1024xf32>
    %select_n3A_222 = arith.select %eq3A_219, %broadcast_in_dim3A_221, %select_n3A_138 : vector<1024x1024xi1>, vector<1024x1024xf32>
    %convert_element_type3A_223 = arith.extui %eq3A_219 : vector<1024x1024xi1> to vector<1024x1024xi32>
    %convert_element_type3A_224 = arith.sitofp %convert_element_type3A_223 : vector<1024x1024xi32> to vector<1024x1024xf32>
    %dot_general3A_225 = arith.constant dense<0.000000e+00> : vector<1024x6xf32>
    %dot_general3A_226 = tpu.matmul %convert_element_type3A_224, %concatenate3A, %dot_general3A_225 {dimension_numbers = #tpu.dot_dimension_numbers<[1], [0], [0], [1], [0, 0, 1, 1], [], []>, transpose_lhs_hint = false} : vector<1024x1024xf32>, vector<1024x6xf32>, vector<1024x6xf32> -> vector<1024x6xf32>
    %slice3A_227 = vector.extract_strided_slice %dot_general3A_226 {offsets = [0, 0], sizes = [1024, 3], strides = [1, 1]} : vector<1024x6xf32> to vector<1024x3xf32>
    %slice3A_228 = vector.extract_strided_slice %dot_general3A_226 {offsets = [0, 3], sizes = [1024, 3], strides = [1, 1]} : vector<1024x6xf32> to vector<1024x3xf32>
    %mul3A_229 = arith.mulf %slice3A_228, %slice3A : vector<1024x3xf32>
    %reduce_sum3A_230 = arith.constant dense<0.000000e+00> : vector<1024xf32>
    %reduce_sum3A_231 = vector.multi_reduction <add>, %mul3A_229, %reduce_sum3A_230 [1] : vector<1024x3xf32> to vector<1024xf32>
    %neg3A_232 = arith.constant 0.000000e+00 : f32
    %neg3A_233 = vector.broadcast %neg3A_232 : f32 to vector<1024xf32>
    %neg3A_234 = arith.subf %neg3A_233, %reduce_sum3A_231 : vector<1024xf32>
    %div3A_235 = arith.constant 3.000000e-01 : f32
    %div3A_236 = vector.broadcast %div3A_235 : f32 to vector<1024xf32>
    %div3A_237 = arith.divf %neg3A_234, %div3A_236 : vector<1024xf32>
    %exp3A_238 = math.exp %div3A_237 : vector<1024xf32>
    %mul3A_239 = arith.constant 1.000000e+01 : f32
    %mul3A_240 = vector.broadcast %mul3A_239 : f32 to vector<1024xf32>
    %mul3A_241 = arith.mulf %exp3A_238, %mul3A_240 : vector<1024xf32>
    %add3A_242 = arith.constant 1.000000e+00 : f32
    %add3A_243 = vector.broadcast %add3A_242 : f32 to vector<1024xf32>
    %add3A_244 = arith.addf %mul3A_241, %add3A_243 : vector<1024xf32>
    %lt3A_245 = arith.constant 4.000000e+00 : f32
    %lt3A_246 = vector.broadcast %lt3A_245 : f32 to vector<1024xf32>
    %lt3A_247 = arith.cmpf olt, %add3A_244, %lt3A_246 : vector<1024xf32>
    %jit3A_248 = arith.constant 1.000000e+00 : f32
    %jit3A_249 = arith.constant 5.000000e+00 : f32
    %broadcast_in_dim3A_250 = vector.broadcast %jit3A_248 : f32 to vector<1024xf32>
    %broadcast_in_dim3A_251 = vector.broadcast %jit3A_249 : f32 to vector<1024xf32>
    %select_n3A_252 = arith.select %lt3A_247, %broadcast_in_dim3A_250, %broadcast_in_dim3A_251 : vector<1024xi1>, vector<1024xf32>
    %mul3A_253 = arith.mulf %slice3A_227, %div3A_57 : vector<1024x3xf32>
    %reduce_sum3A_254 = arith.constant dense<0.000000e+00> : vector<1024xf32>
    %reduce_sum3A_255 = vector.multi_reduction <add>, %mul3A_253, %reduce_sum3A_254 [1] : vector<1024x3xf32> to vector<1024xf32>
    %mul3A_256 = arith.mulf %slice3A_227, %slice3A_227 : vector<1024x3xf32>
    %reduce_sum3A_257 = arith.constant dense<0.000000e+00> : vector<1024xf32>
    %reduce_sum3A_258 = vector.multi_reduction <add>, %mul3A_256, %reduce_sum3A_257 [1] : vector<1024x3xf32> to vector<1024xf32>
    %sqrt3A_259 = math.sqrt %reduce_sum3A_258 : vector<1024xf32>
    %mul3A_260 = arith.mulf %div3A_57, %div3A_57 : vector<1024x3xf32>
    %reduce_sum3A_261 = arith.constant dense<0.000000e+00> : vector<1024xf32>
    %reduce_sum3A_262 = vector.multi_reduction <add>, %mul3A_260, %reduce_sum3A_261 [1] : vector<1024x3xf32> to vector<1024xf32>
    %sqrt3A_263 = math.sqrt %reduce_sum3A_262 : vector<1024xf32>
    %mul3A_264 = arith.mulf %sqrt3A_259, %sqrt3A_263 : vector<1024xf32>
    %max3A_265 = arith.constant 9.99999993E-9 : f32
    %max3A_266 = vector.broadcast %max3A_265 : f32 to vector<1024xf32>
    %max3A_267 = arith.maximumf %mul3A_264, %max3A_266 : vector<1024xf32>
    %div3A_268 = arith.divf %reduce_sum3A_255, %max3A_267 : vector<1024xf32>
    %abs3A_269 = math.absf %div3A_268 : vector<1024xf32>
    %sub3A_270 = arith.constant 1.000000e+00 : f32
    %sub3A_271 = vector.broadcast %sub3A_270 : f32 to vector<1024xf32>
    %sub3A_272 = arith.subf %sub3A_271, %abs3A_269 : vector<1024xf32>
    %mul3A_273 = arith.mulf %slice3A_227, %stack3A_111 : vector<1024x3xf32>
    %reduce_sum3A_274 = arith.constant dense<0.000000e+00> : vector<1024xf32>
    %reduce_sum3A_275 = vector.multi_reduction <add>, %mul3A_273, %reduce_sum3A_274 [1] : vector<1024x3xf32> to vector<1024xf32>
    %mul3A_276 = arith.mulf %slice3A_227, %slice3A_227 : vector<1024x3xf32>
    %reduce_sum3A_277 = arith.constant dense<0.000000e+00> : vector<1024xf32>
    %reduce_sum3A_278 = vector.multi_reduction <add>, %mul3A_276, %reduce_sum3A_277 [1] : vector<1024x3xf32> to vector<1024xf32>
    %sqrt3A_279 = math.sqrt %reduce_sum3A_278 : vector<1024xf32>
    %mul3A_280 = arith.mulf %stack3A_111, %stack3A_111 : vector<1024x3xf32>
    %reduce_sum3A_281 = arith.constant dense<0.000000e+00> : vector<1024xf32>
    %reduce_sum3A_282 = vector.multi_reduction <add>, %mul3A_280, %reduce_sum3A_281 [1] : vector<1024x3xf32> to vector<1024xf32>
    %sqrt3A_283 = math.sqrt %reduce_sum3A_282 : vector<1024xf32>
    %mul3A_284 = arith.mulf %sqrt3A_279, %sqrt3A_283 : vector<1024xf32>
    %max3A_285 = arith.constant 9.99999993E-9 : f32
    %max3A_286 = vector.broadcast %max3A_285 : f32 to vector<1024xf32>
    %max3A_287 = arith.maximumf %mul3A_284, %max3A_286 : vector<1024xf32>
    %div3A_288 = arith.divf %reduce_sum3A_275, %max3A_287 : vector<1024xf32>
    %abs3A_289 = math.absf %div3A_288 : vector<1024xf32>
    %sub3A_290 = arith.constant 1.000000e+00 : f32
    %sub3A_291 = vector.broadcast %sub3A_290 : f32 to vector<1024xf32>
    %sub3A_292 = arith.subf %sub3A_291, %abs3A_289 : vector<1024xf32>
    %min3A_293 = arith.minimumf %sub3A_272, %sub3A_292 : vector<1024xf32>
    %mul3A_294 = arith.mulf %select_n3A_252, %min3A_293 : vector<1024xf32>
    %add3A_295 = arith.addf %add3A_206, %mul3A_294 : vector<1024xf32>
    %reduce_min3A_296 = arith.constant dense<0x7F800000> : vector<1024xf32>
    %reduce_min3A_297 = vector.multi_reduction <minimumf>, %select_n3A_222, %reduce_min3A_296 [1] : vector<1024x1024xf32> to vector<1024xf32>
    %broadcast_in_dim3A_298 = vector.shape_cast %reduce_min3A_297 : vector<1024xf32> to vector<1024x1xf32>
    %eq3A_299 = vector.broadcast %broadcast_in_dim3A_298 : vector<1024x1xf32> to vector<1024x1024xf32>
    %eq3A_300 = arith.cmpf oeq, %select_n3A_222, %eq3A_299 : vector<1024x1024xf32>
    %jit3A_301 = arith.constant 1024 : i32
    %broadcast_in_dim3A_302 = vector.broadcast %jit3A_301 : i32 to vector<1024x1024xi32>
    %select_n3A_303 = arith.select %eq3A_300, %iota3A, %broadcast_in_dim3A_302 : vector<1024x1024xi1>, vector<1024x1024xi32>
    %reduce_min3A_304 = arith.constant dense<2147483647> : vector<1024xi32>
    %reduce_min3A_305 = vector.multi_reduction <minsi>, %select_n3A_303, %reduce_min3A_304 [1] : vector<1024x1024xi32> to vector<1024xi32>
    %broadcast_in_dim3A_306 = vector.shape_cast %reduce_min3A_305 : vector<1024xi32> to vector<1024x1xi32>
    %eq3A_307 = vector.broadcast %broadcast_in_dim3A_306 : vector<1024x1xi32> to vector<1024x1024xi32>
    %eq3A_308 = arith.cmpi eq, %eq3A_307, %iota3A : vector<1024x1024xi32>
    %jit3A_309 = arith.constant 3.000000e+38 : f32
    %broadcast_in_dim3A_310 = vector.broadcast %jit3A_309 : f32 to vector<1024x1024xf32>
    %select_n3A_311 = arith.select %eq3A_308, %broadcast_in_dim3A_310, %select_n3A_222 : vector<1024x1024xi1>, vector<1024x1024xf32>
    %convert_element_type3A_312 = arith.extui %eq3A_308 : vector<1024x1024xi1> to vector<1024x1024xi32>
    %convert_element_type3A_313 = arith.sitofp %convert_element_type3A_312 : vector<1024x1024xi32> to vector<1024x1024xf32>
    %dot_general3A_314 = arith.constant dense<0.000000e+00> : vector<1024x6xf32>
    %dot_general3A_315 = tpu.matmul %convert_element_type3A_313, %concatenate3A, %dot_general3A_314 {dimension_numbers = #tpu.dot_dimension_numbers<[1], [0], [0], [1], [0, 0, 1, 1], [], []>, transpose_lhs_hint = false} : vector<1024x1024xf32>, vector<1024x6xf32>, vector<1024x6xf32> -> vector<1024x6xf32>
    %slice3A_316 = vector.extract_strided_slice %dot_general3A_315 {offsets = [0, 0], sizes = [1024, 3], strides = [1, 1]} : vector<1024x6xf32> to vector<1024x3xf32>
    %slice3A_317 = vector.extract_strided_slice %dot_general3A_315 {offsets = [0, 3], sizes = [1024, 3], strides = [1, 1]} : vector<1024x6xf32> to vector<1024x3xf32>
    %mul3A_318 = arith.mulf %slice3A_317, %slice3A : vector<1024x3xf32>
    %reduce_sum3A_319 = arith.constant dense<0.000000e+00> : vector<1024xf32>
    %reduce_sum3A_320 = vector.multi_reduction <add>, %mul3A_318, %reduce_sum3A_319 [1] : vector<1024x3xf32> to vector<1024xf32>
    %neg3A_321 = arith.constant 0.000000e+00 : f32
    %neg3A_322 = vector.broadcast %neg3A_321 : f32 to vector<1024xf32>
    %neg3A_323 = arith.subf %neg3A_322, %reduce_sum3A_320 : vector<1024xf32>
    %div3A_324 = arith.constant 3.000000e-01 : f32
    %div3A_325 = vector.broadcast %div3A_324 : f32 to vector<1024xf32>
    %div3A_326 = arith.divf %neg3A_323, %div3A_325 : vector<1024xf32>
    %exp3A_327 = math.exp %div3A_326 : vector<1024xf32>
    %mul3A_328 = arith.constant 1.000000e+01 : f32
    %mul3A_329 = vector.broadcast %mul3A_328 : f32 to vector<1024xf32>
    %mul3A_330 = arith.mulf %exp3A_327, %mul3A_329 : vector<1024xf32>
    %add3A_331 = arith.constant 1.000000e+00 : f32
    %add3A_332 = vector.broadcast %add3A_331 : f32 to vector<1024xf32>
    %add3A_333 = arith.addf %mul3A_330, %add3A_332 : vector<1024xf32>
    %lt3A_334 = arith.constant 4.000000e+00 : f32
    %lt3A_335 = vector.broadcast %lt3A_334 : f32 to vector<1024xf32>
    %lt3A_336 = arith.cmpf olt, %add3A_333, %lt3A_335 : vector<1024xf32>
    %jit3A_337 = arith.constant 1.000000e+00 : f32
    %jit3A_338 = arith.constant 5.000000e+00 : f32
    %broadcast_in_dim3A_339 = vector.broadcast %jit3A_337 : f32 to vector<1024xf32>
    %broadcast_in_dim3A_340 = vector.broadcast %jit3A_338 : f32 to vector<1024xf32>
    %select_n3A_341 = arith.select %lt3A_336, %broadcast_in_dim3A_339, %broadcast_in_dim3A_340 : vector<1024xi1>, vector<1024xf32>
    %mul3A_342 = arith.mulf %slice3A_316, %div3A_57 : vector<1024x3xf32>
    %reduce_sum3A_343 = arith.constant dense<0.000000e+00> : vector<1024xf32>
    %reduce_sum3A_344 = vector.multi_reduction <add>, %mul3A_342, %reduce_sum3A_343 [1] : vector<1024x3xf32> to vector<1024xf32>
    %mul3A_345 = arith.mulf %slice3A_316, %slice3A_316 : vector<1024x3xf32>
    %reduce_sum3A_346 = arith.constant dense<0.000000e+00> : vector<1024xf32>
    %reduce_sum3A_347 = vector.multi_reduction <add>, %mul3A_345, %reduce_sum3A_346 [1] : vector<1024x3xf32> to vector<1024xf32>
    %sqrt3A_348 = math.sqrt %reduce_sum3A_347 : vector<1024xf32>
    %mul3A_349 = arith.mulf %div3A_57, %div3A_57 : vector<1024x3xf32>
    %reduce_sum3A_350 = arith.constant dense<0.000000e+00> : vector<1024xf32>
    %reduce_sum3A_351 = vector.multi_reduction <add>, %mul3A_349, %reduce_sum3A_350 [1] : vector<1024x3xf32> to vector<1024xf32>
    %sqrt3A_352 = math.sqrt %reduce_sum3A_351 : vector<1024xf32>
    %mul3A_353 = arith.mulf %sqrt3A_348, %sqrt3A_352 : vector<1024xf32>
    %max3A_354 = arith.constant 9.99999993E-9 : f32
    %max3A_355 = vector.broadcast %max3A_354 : f32 to vector<1024xf32>
    %max3A_356 = arith.maximumf %mul3A_353, %max3A_355 : vector<1024xf32>
    %div3A_357 = arith.divf %reduce_sum3A_344, %max3A_356 : vector<1024xf32>
    %abs3A_358 = math.absf %div3A_357 : vector<1024xf32>
    %sub3A_359 = arith.constant 1.000000e+00 : f32
    %sub3A_360 = vector.broadcast %sub3A_359 : f32 to vector<1024xf32>
    %sub3A_361 = arith.subf %sub3A_360, %abs3A_358 : vector<1024xf32>
    %mul3A_362 = arith.mulf %slice3A_316, %stack3A_111 : vector<1024x3xf32>
    %reduce_sum3A_363 = arith.constant dense<0.000000e+00> : vector<1024xf32>
    %reduce_sum3A_364 = vector.multi_reduction <add>, %mul3A_362, %reduce_sum3A_363 [1] : vector<1024x3xf32> to vector<1024xf32>
    %mul3A_365 = arith.mulf %slice3A_316, %slice3A_316 : vector<1024x3xf32>
    %reduce_sum3A_366 = arith.constant dense<0.000000e+00> : vector<1024xf32>
    %reduce_sum3A_367 = vector.multi_reduction <add>, %mul3A_365, %reduce_sum3A_366 [1] : vector<1024x3xf32> to vector<1024xf32>
    %sqrt3A_368 = math.sqrt %reduce_sum3A_367 : vector<1024xf32>
    %mul3A_369 = arith.mulf %stack3A_111, %stack3A_111 : vector<1024x3xf32>
    %reduce_sum3A_370 = arith.constant dense<0.000000e+00> : vector<1024xf32>
    %reduce_sum3A_371 = vector.multi_reduction <add>, %mul3A_369, %reduce_sum3A_370 [1] : vector<1024x3xf32> to vector<1024xf32>
    %sqrt3A_372 = math.sqrt %reduce_sum3A_371 : vector<1024xf32>
    %mul3A_373 = arith.mulf %sqrt3A_368, %sqrt3A_372 : vector<1024xf32>
    %max3A_374 = arith.constant 9.99999993E-9 : f32
    %max3A_375 = vector.broadcast %max3A_374 : f32 to vector<1024xf32>
    %max3A_376 = arith.maximumf %mul3A_373, %max3A_375 : vector<1024xf32>
    %div3A_377 = arith.divf %reduce_sum3A_364, %max3A_376 : vector<1024xf32>
    %abs3A_378 = math.absf %div3A_377 : vector<1024xf32>
    %sub3A_379 = arith.constant 1.000000e+00 : f32
    %sub3A_380 = vector.broadcast %sub3A_379 : f32 to vector<1024xf32>
    %sub3A_381 = arith.subf %sub3A_380, %abs3A_378 : vector<1024xf32>
    %min3A_382 = arith.minimumf %sub3A_361, %sub3A_381 : vector<1024xf32>
    %mul3A_383 = arith.mulf %select_n3A_341, %min3A_382 : vector<1024xf32>
    %add3A_384 = arith.addf %add3A_295, %mul3A_383 : vector<1024xf32>
    %reduce_min3A_385 = arith.constant dense<0x7F800000> : vector<1024xf32>
    %reduce_min3A_386 = vector.multi_reduction <minimumf>, %select_n3A_311, %reduce_min3A_385 [1] : vector<1024x1024xf32> to vector<1024xf32>
    %broadcast_in_dim3A_387 = vector.shape_cast %reduce_min3A_386 : vector<1024xf32> to vector<1024x1xf32>
    %eq3A_388 = vector.broadcast %broadcast_in_dim3A_387 : vector<1024x1xf32> to vector<1024x1024xf32>
    %eq3A_389 = arith.cmpf oeq, %select_n3A_311, %eq3A_388 : vector<1024x1024xf32>
    %jit3A_390 = arith.constant 1024 : i32
    %broadcast_in_dim3A_391 = vector.broadcast %jit3A_390 : i32 to vector<1024x1024xi32>
    %select_n3A_392 = arith.select %eq3A_389, %iota3A, %broadcast_in_dim3A_391 : vector<1024x1024xi1>, vector<1024x1024xi32>
    %reduce_min3A_393 = arith.constant dense<2147483647> : vector<1024xi32>
    %reduce_min3A_394 = vector.multi_reduction <minsi>, %select_n3A_392, %reduce_min3A_393 [1] : vector<1024x1024xi32> to vector<1024xi32>
    %broadcast_in_dim3A_395 = vector.shape_cast %reduce_min3A_394 : vector<1024xi32> to vector<1024x1xi32>
    %eq3A_396 = vector.broadcast %broadcast_in_dim3A_395 : vector<1024x1xi32> to vector<1024x1024xi32>
    %eq3A_397 = arith.cmpi eq, %eq3A_396, %iota3A : vector<1024x1024xi32>
    %jit3A_398 = arith.constant 3.000000e+38 : f32
    %broadcast_in_dim3A_399 = vector.broadcast %jit3A_398 : f32 to vector<1024x1024xf32>
    %select_n3A_400 = arith.select %eq3A_397, %broadcast_in_dim3A_399, %select_n3A_311 : vector<1024x1024xi1>, vector<1024x1024xf32>
    %convert_element_type3A_401 = arith.extui %eq3A_397 : vector<1024x1024xi1> to vector<1024x1024xi32>
    %convert_element_type3A_402 = arith.sitofp %convert_element_type3A_401 : vector<1024x1024xi32> to vector<1024x1024xf32>
    %dot_general3A_403 = arith.constant dense<0.000000e+00> : vector<1024x6xf32>
    %dot_general3A_404 = tpu.matmul %convert_element_type3A_402, %concatenate3A, %dot_general3A_403 {dimension_numbers = #tpu.dot_dimension_numbers<[1], [0], [0], [1], [0, 0, 1, 1], [], []>, transpose_lhs_hint = false} : vector<1024x1024xf32>, vector<1024x6xf32>, vector<1024x6xf32> -> vector<1024x6xf32>
    %slice3A_405 = vector.extract_strided_slice %dot_general3A_404 {offsets = [0, 0], sizes = [1024, 3], strides = [1, 1]} : vector<1024x6xf32> to vector<1024x3xf32>
    %slice3A_406 = vector.extract_strided_slice %dot_general3A_404 {offsets = [0, 3], sizes = [1024, 3], strides = [1, 1]} : vector<1024x6xf32> to vector<1024x3xf32>
    %mul3A_407 = arith.mulf %slice3A_406, %slice3A : vector<1024x3xf32>
    %reduce_sum3A_408 = arith.constant dense<0.000000e+00> : vector<1024xf32>
    %reduce_sum3A_409 = vector.multi_reduction <add>, %mul3A_407, %reduce_sum3A_408 [1] : vector<1024x3xf32> to vector<1024xf32>
    %neg3A_410 = arith.constant 0.000000e+00 : f32
    %neg3A_411 = vector.broadcast %neg3A_410 : f32 to vector<1024xf32>
    %neg3A_412 = arith.subf %neg3A_411, %reduce_sum3A_409 : vector<1024xf32>
    %div3A_413 = arith.constant 3.000000e-01 : f32
    %div3A_414 = vector.broadcast %div3A_413 : f32 to vector<1024xf32>
    %div3A_415 = arith.divf %neg3A_412, %div3A_414 : vector<1024xf32>
    %exp3A_416 = math.exp %div3A_415 : vector<1024xf32>
    %mul3A_417 = arith.constant 1.000000e+01 : f32
    %mul3A_418 = vector.broadcast %mul3A_417 : f32 to vector<1024xf32>
    %mul3A_419 = arith.mulf %exp3A_416, %mul3A_418 : vector<1024xf32>
    %add3A_420 = arith.constant 1.000000e+00 : f32
    %add3A_421 = vector.broadcast %add3A_420 : f32 to vector<1024xf32>
    %add3A_422 = arith.addf %mul3A_419, %add3A_421 : vector<1024xf32>
    %lt3A_423 = arith.constant 4.000000e+00 : f32
    %lt3A_424 = vector.broadcast %lt3A_423 : f32 to vector<1024xf32>
    %lt3A_425 = arith.cmpf olt, %add3A_422, %lt3A_424 : vector<1024xf32>
    %jit3A_426 = arith.constant 1.000000e+00 : f32
    %jit3A_427 = arith.constant 5.000000e+00 : f32
    %broadcast_in_dim3A_428 = vector.broadcast %jit3A_426 : f32 to vector<1024xf32>
    %broadcast_in_dim3A_429 = vector.broadcast %jit3A_427 : f32 to vector<1024xf32>
    %select_n3A_430 = arith.select %lt3A_425, %broadcast_in_dim3A_428, %broadcast_in_dim3A_429 : vector<1024xi1>, vector<1024xf32>
    %mul3A_431 = arith.mulf %slice3A_405, %div3A_57 : vector<1024x3xf32>
    %reduce_sum3A_432 = arith.constant dense<0.000000e+00> : vector<1024xf32>
    %reduce_sum3A_433 = vector.multi_reduction <add>, %mul3A_431, %reduce_sum3A_432 [1] : vector<1024x3xf32> to vector<1024xf32>
    %mul3A_434 = arith.mulf %slice3A_405, %slice3A_405 : vector<1024x3xf32>
    %reduce_sum3A_435 = arith.constant dense<0.000000e+00> : vector<1024xf32>
    %reduce_sum3A_436 = vector.multi_reduction <add>, %mul3A_434, %reduce_sum3A_435 [1] : vector<1024x3xf32> to vector<1024xf32>
    %sqrt3A_437 = math.sqrt %reduce_sum3A_436 : vector<1024xf32>
    %mul3A_438 = arith.mulf %div3A_57, %div3A_57 : vector<1024x3xf32>
    %reduce_sum3A_439 = arith.constant dense<0.000000e+00> : vector<1024xf32>
    %reduce_sum3A_440 = vector.multi_reduction <add>, %mul3A_438, %reduce_sum3A_439 [1] : vector<1024x3xf32> to vector<1024xf32>
    %sqrt3A_441 = math.sqrt %reduce_sum3A_440 : vector<1024xf32>
    %mul3A_442 = arith.mulf %sqrt3A_437, %sqrt3A_441 : vector<1024xf32>
    %max3A_443 = arith.constant 9.99999993E-9 : f32
    %max3A_444 = vector.broadcast %max3A_443 : f32 to vector<1024xf32>
    %max3A_445 = arith.maximumf %mul3A_442, %max3A_444 : vector<1024xf32>
    %div3A_446 = arith.divf %reduce_sum3A_433, %max3A_445 : vector<1024xf32>
    %abs3A_447 = math.absf %div3A_446 : vector<1024xf32>
    %sub3A_448 = arith.constant 1.000000e+00 : f32
    %sub3A_449 = vector.broadcast %sub3A_448 : f32 to vector<1024xf32>
    %sub3A_450 = arith.subf %sub3A_449, %abs3A_447 : vector<1024xf32>
    %mul3A_451 = arith.mulf %slice3A_405, %stack3A_111 : vector<1024x3xf32>
    %reduce_sum3A_452 = arith.constant dense<0.000000e+00> : vector<1024xf32>
    %reduce_sum3A_453 = vector.multi_reduction <add>, %mul3A_451, %reduce_sum3A_452 [1] : vector<1024x3xf32> to vector<1024xf32>
    %mul3A_454 = arith.mulf %slice3A_405, %slice3A_405 : vector<1024x3xf32>
    %reduce_sum3A_455 = arith.constant dense<0.000000e+00> : vector<1024xf32>
    %reduce_sum3A_456 = vector.multi_reduction <add>, %mul3A_454, %reduce_sum3A_455 [1] : vector<1024x3xf32> to vector<1024xf32>
    %sqrt3A_457 = math.sqrt %reduce_sum3A_456 : vector<1024xf32>
    %mul3A_458 = arith.mulf %stack3A_111, %stack3A_111 : vector<1024x3xf32>
    %reduce_sum3A_459 = arith.constant dense<0.000000e+00> : vector<1024xf32>
    %reduce_sum3A_460 = vector.multi_reduction <add>, %mul3A_458, %reduce_sum3A_459 [1] : vector<1024x3xf32> to vector<1024xf32>
    %sqrt3A_461 = math.sqrt %reduce_sum3A_460 : vector<1024xf32>
    %mul3A_462 = arith.mulf %sqrt3A_457, %sqrt3A_461 : vector<1024xf32>
    %max3A_463 = arith.constant 9.99999993E-9 : f32
    %max3A_464 = vector.broadcast %max3A_463 : f32 to vector<1024xf32>
    %max3A_465 = arith.maximumf %mul3A_462, %max3A_464 : vector<1024xf32>
    %div3A_466 = arith.divf %reduce_sum3A_453, %max3A_465 : vector<1024xf32>
    %abs3A_467 = math.absf %div3A_466 : vector<1024xf32>
    %sub3A_468 = arith.constant 1.000000e+00 : f32
    %sub3A_469 = vector.broadcast %sub3A_468 : f32 to vector<1024xf32>
    %sub3A_470 = arith.subf %sub3A_469, %abs3A_467 : vector<1024xf32>
    %min3A_471 = arith.minimumf %sub3A_450, %sub3A_470 : vector<1024xf32>
    %mul3A_472 = arith.mulf %select_n3A_430, %min3A_471 : vector<1024xf32>
    %add3A_473 = arith.addf %add3A_384, %mul3A_472 : vector<1024xf32>
    %reduce_min3A_474 = arith.constant dense<0x7F800000> : vector<1024xf32>
    %reduce_min3A_475 = vector.multi_reduction <minimumf>, %select_n3A_400, %reduce_min3A_474 [1] : vector<1024x1024xf32> to vector<1024xf32>
    %broadcast_in_dim3A_476 = vector.shape_cast %reduce_min3A_475 : vector<1024xf32> to vector<1024x1xf32>
    %eq3A_477 = vector.broadcast %broadcast_in_dim3A_476 : vector<1024x1xf32> to vector<1024x1024xf32>
    %eq3A_478 = arith.cmpf oeq, %select_n3A_400, %eq3A_477 : vector<1024x1024xf32>
    %jit3A_479 = arith.constant 1024 : i32
    %broadcast_in_dim3A_480 = vector.broadcast %jit3A_479 : i32 to vector<1024x1024xi32>
    %select_n3A_481 = arith.select %eq3A_478, %iota3A, %broadcast_in_dim3A_480 : vector<1024x1024xi1>, vector<1024x1024xi32>
    %reduce_min3A_482 = arith.constant dense<2147483647> : vector<1024xi32>
    %reduce_min3A_483 = vector.multi_reduction <minsi>, %select_n3A_481, %reduce_min3A_482 [1] : vector<1024x1024xi32> to vector<1024xi32>
    %broadcast_in_dim3A_484 = vector.shape_cast %reduce_min3A_483 : vector<1024xi32> to vector<1024x1xi32>
    %eq3A_485 = vector.broadcast %broadcast_in_dim3A_484 : vector<1024x1xi32> to vector<1024x1024xi32>
    %eq3A_486 = arith.cmpi eq, %eq3A_485, %iota3A : vector<1024x1024xi32>
    %jit3A_487 = arith.constant 3.000000e+38 : f32
    %broadcast_in_dim3A_488 = vector.broadcast %jit3A_487 : f32 to vector<1024x1024xf32>
    %select_n3A_489 = arith.select %eq3A_486, %broadcast_in_dim3A_488, %select_n3A_400 : vector<1024x1024xi1>, vector<1024x1024xf32>
    %convert_element_type3A_490 = arith.extui %eq3A_486 : vector<1024x1024xi1> to vector<1024x1024xi32>
    %convert_element_type3A_491 = arith.sitofp %convert_element_type3A_490 : vector<1024x1024xi32> to vector<1024x1024xf32>
    %dot_general3A_492 = arith.constant dense<0.000000e+00> : vector<1024x6xf32>
    %dot_general3A_493 = tpu.matmul %convert_element_type3A_491, %concatenate3A, %dot_general3A_492 {dimension_numbers = #tpu.dot_dimension_numbers<[1], [0], [0], [1], [0, 0, 1, 1], [], []>, transpose_lhs_hint = false} : vector<1024x1024xf32>, vector<1024x6xf32>, vector<1024x6xf32> -> vector<1024x6xf32>
    %slice3A_494 = vector.extract_strided_slice %dot_general3A_493 {offsets = [0, 0], sizes = [1024, 3], strides = [1, 1]} : vector<1024x6xf32> to vector<1024x3xf32>
    %slice3A_495 = vector.extract_strided_slice %dot_general3A_493 {offsets = [0, 3], sizes = [1024, 3], strides = [1, 1]} : vector<1024x6xf32> to vector<1024x3xf32>
    %mul3A_496 = arith.mulf %slice3A_495, %slice3A : vector<1024x3xf32>
    %reduce_sum3A_497 = arith.constant dense<0.000000e+00> : vector<1024xf32>
    %reduce_sum3A_498 = vector.multi_reduction <add>, %mul3A_496, %reduce_sum3A_497 [1] : vector<1024x3xf32> to vector<1024xf32>
    %neg3A_499 = arith.constant 0.000000e+00 : f32
    %neg3A_500 = vector.broadcast %neg3A_499 : f32 to vector<1024xf32>
    %neg3A_501 = arith.subf %neg3A_500, %reduce_sum3A_498 : vector<1024xf32>
    %div3A_502 = arith.constant 3.000000e-01 : f32
    %div3A_503 = vector.broadcast %div3A_502 : f32 to vector<1024xf32>
    %div3A_504 = arith.divf %neg3A_501, %div3A_503 : vector<1024xf32>
    %exp3A_505 = math.exp %div3A_504 : vector<1024xf32>
    %mul3A_506 = arith.constant 1.000000e+01 : f32
    %mul3A_507 = vector.broadcast %mul3A_506 : f32 to vector<1024xf32>
    %mul3A_508 = arith.mulf %exp3A_505, %mul3A_507 : vector<1024xf32>
    %add3A_509 = arith.constant 1.000000e+00 : f32
    %add3A_510 = vector.broadcast %add3A_509 : f32 to vector<1024xf32>
    %add3A_511 = arith.addf %mul3A_508, %add3A_510 : vector<1024xf32>
    %lt3A_512 = arith.constant 4.000000e+00 : f32
    %lt3A_513 = vector.broadcast %lt3A_512 : f32 to vector<1024xf32>
    %lt3A_514 = arith.cmpf olt, %add3A_511, %lt3A_513 : vector<1024xf32>
    %jit3A_515 = arith.constant 1.000000e+00 : f32
    %jit3A_516 = arith.constant 5.000000e+00 : f32
    %broadcast_in_dim3A_517 = vector.broadcast %jit3A_515 : f32 to vector<1024xf32>
    %broadcast_in_dim3A_518 = vector.broadcast %jit3A_516 : f32 to vector<1024xf32>
    %select_n3A_519 = arith.select %lt3A_514, %broadcast_in_dim3A_517, %broadcast_in_dim3A_518 : vector<1024xi1>, vector<1024xf32>
    %mul3A_520 = arith.mulf %slice3A_494, %div3A_57 : vector<1024x3xf32>
    %reduce_sum3A_521 = arith.constant dense<0.000000e+00> : vector<1024xf32>
    %reduce_sum3A_522 = vector.multi_reduction <add>, %mul3A_520, %reduce_sum3A_521 [1] : vector<1024x3xf32> to vector<1024xf32>
    %mul3A_523 = arith.mulf %slice3A_494, %slice3A_494 : vector<1024x3xf32>
    %reduce_sum3A_524 = arith.constant dense<0.000000e+00> : vector<1024xf32>
    %reduce_sum3A_525 = vector.multi_reduction <add>, %mul3A_523, %reduce_sum3A_524 [1] : vector<1024x3xf32> to vector<1024xf32>
    %sqrt3A_526 = math.sqrt %reduce_sum3A_525 : vector<1024xf32>
    %mul3A_527 = arith.mulf %div3A_57, %div3A_57 : vector<1024x3xf32>
    %reduce_sum3A_528 = arith.constant dense<0.000000e+00> : vector<1024xf32>
    %reduce_sum3A_529 = vector.multi_reduction <add>, %mul3A_527, %reduce_sum3A_528 [1] : vector<1024x3xf32> to vector<1024xf32>
    %sqrt3A_530 = math.sqrt %reduce_sum3A_529 : vector<1024xf32>
    %mul3A_531 = arith.mulf %sqrt3A_526, %sqrt3A_530 : vector<1024xf32>
    %max3A_532 = arith.constant 9.99999993E-9 : f32
    %max3A_533 = vector.broadcast %max3A_532 : f32 to vector<1024xf32>
    %max3A_534 = arith.maximumf %mul3A_531, %max3A_533 : vector<1024xf32>
    %div3A_535 = arith.divf %reduce_sum3A_522, %max3A_534 : vector<1024xf32>
    %abs3A_536 = math.absf %div3A_535 : vector<1024xf32>
    %sub3A_537 = arith.constant 1.000000e+00 : f32
    %sub3A_538 = vector.broadcast %sub3A_537 : f32 to vector<1024xf32>
    %sub3A_539 = arith.subf %sub3A_538, %abs3A_536 : vector<1024xf32>
    %mul3A_540 = arith.mulf %slice3A_494, %stack3A_111 : vector<1024x3xf32>
    %reduce_sum3A_541 = arith.constant dense<0.000000e+00> : vector<1024xf32>
    %reduce_sum3A_542 = vector.multi_reduction <add>, %mul3A_540, %reduce_sum3A_541 [1] : vector<1024x3xf32> to vector<1024xf32>
    %mul3A_543 = arith.mulf %slice3A_494, %slice3A_494 : vector<1024x3xf32>
    %reduce_sum3A_544 = arith.constant dense<0.000000e+00> : vector<1024xf32>
    %reduce_sum3A_545 = vector.multi_reduction <add>, %mul3A_543, %reduce_sum3A_544 [1] : vector<1024x3xf32> to vector<1024xf32>
    %sqrt3A_546 = math.sqrt %reduce_sum3A_545 : vector<1024xf32>
    %mul3A_547 = arith.mulf %stack3A_111, %stack3A_111 : vector<1024x3xf32>
    %reduce_sum3A_548 = arith.constant dense<0.000000e+00> : vector<1024xf32>
    %reduce_sum3A_549 = vector.multi_reduction <add>, %mul3A_547, %reduce_sum3A_548 [1] : vector<1024x3xf32> to vector<1024xf32>
    %sqrt3A_550 = math.sqrt %reduce_sum3A_549 : vector<1024xf32>
    %mul3A_551 = arith.mulf %sqrt3A_546, %sqrt3A_550 : vector<1024xf32>
    %max3A_552 = arith.constant 9.99999993E-9 : f32
    %max3A_553 = vector.broadcast %max3A_552 : f32 to vector<1024xf32>
    %max3A_554 = arith.maximumf %mul3A_551, %max3A_553 : vector<1024xf32>
    %div3A_555 = arith.divf %reduce_sum3A_542, %max3A_554 : vector<1024xf32>
    %abs3A_556 = math.absf %div3A_555 : vector<1024xf32>
    %sub3A_557 = arith.constant 1.000000e+00 : f32
    %sub3A_558 = vector.broadcast %sub3A_557 : f32 to vector<1024xf32>
    %sub3A_559 = arith.subf %sub3A_558, %abs3A_556 : vector<1024xf32>
    %min3A_560 = arith.minimumf %sub3A_539, %sub3A_559 : vector<1024xf32>
    %mul3A_561 = arith.mulf %select_n3A_519, %min3A_560 : vector<1024xf32>
    %add3A_562 = arith.addf %add3A_473, %mul3A_561 : vector<1024xf32>
    %reduce_min3A_563 = arith.constant dense<0x7F800000> : vector<1024xf32>
    %reduce_min3A_564 = vector.multi_reduction <minimumf>, %select_n3A_489, %reduce_min3A_563 [1] : vector<1024x1024xf32> to vector<1024xf32>
    %broadcast_in_dim3A_565 = vector.shape_cast %reduce_min3A_564 : vector<1024xf32> to vector<1024x1xf32>
    %eq3A_566 = vector.broadcast %broadcast_in_dim3A_565 : vector<1024x1xf32> to vector<1024x1024xf32>
    %eq3A_567 = arith.cmpf oeq, %select_n3A_489, %eq3A_566 : vector<1024x1024xf32>
    %jit3A_568 = arith.constant 1024 : i32
    %broadcast_in_dim3A_569 = vector.broadcast %jit3A_568 : i32 to vector<1024x1024xi32>
    %select_n3A_570 = arith.select %eq3A_567, %iota3A, %broadcast_in_dim3A_569 : vector<1024x1024xi1>, vector<1024x1024xi32>
    %reduce_min3A_571 = arith.constant dense<2147483647> : vector<1024xi32>
    %reduce_min3A_572 = vector.multi_reduction <minsi>, %select_n3A_570, %reduce_min3A_571 [1] : vector<1024x1024xi32> to vector<1024xi32>
    %broadcast_in_dim3A_573 = vector.shape_cast %reduce_min3A_572 : vector<1024xi32> to vector<1024x1xi32>
    %eq3A_574 = vector.broadcast %broadcast_in_dim3A_573 : vector<1024x1xi32> to vector<1024x1024xi32>
    %eq3A_575 = arith.cmpi eq, %eq3A_574, %iota3A : vector<1024x1024xi32>
    %convert_element_type3A_576 = arith.extui %eq3A_575 : vector<1024x1024xi1> to vector<1024x1024xi32>
    %convert_element_type3A_577 = arith.sitofp %convert_element_type3A_576 : vector<1024x1024xi32> to vector<1024x1024xf32>
    %dot_general3A_578 = arith.constant dense<0.000000e+00> : vector<1024x6xf32>
    %dot_general3A_579 = tpu.matmul %convert_element_type3A_577, %concatenate3A, %dot_general3A_578 {dimension_numbers = #tpu.dot_dimension_numbers<[1], [0], [0], [1], [0, 0, 1, 1], [], []>, transpose_lhs_hint = false} : vector<1024x1024xf32>, vector<1024x6xf32>, vector<1024x6xf32> -> vector<1024x6xf32>
    %slice3A_580 = vector.extract_strided_slice %dot_general3A_579 {offsets = [0, 0], sizes = [1024, 3], strides = [1, 1]} : vector<1024x6xf32> to vector<1024x3xf32>
    %slice3A_581 = vector.extract_strided_slice %dot_general3A_579 {offsets = [0, 3], sizes = [1024, 3], strides = [1, 1]} : vector<1024x6xf32> to vector<1024x3xf32>
    %mul3A_582 = arith.mulf %slice3A_581, %slice3A : vector<1024x3xf32>
    %reduce_sum3A_583 = arith.constant dense<0.000000e+00> : vector<1024xf32>
    %reduce_sum3A_584 = vector.multi_reduction <add>, %mul3A_582, %reduce_sum3A_583 [1] : vector<1024x3xf32> to vector<1024xf32>
    %neg3A_585 = arith.constant 0.000000e+00 : f32
    %neg3A_586 = vector.broadcast %neg3A_585 : f32 to vector<1024xf32>
    %neg3A_587 = arith.subf %neg3A_586, %reduce_sum3A_584 : vector<1024xf32>
    %div3A_588 = arith.constant 3.000000e-01 : f32
    %div3A_589 = vector.broadcast %div3A_588 : f32 to vector<1024xf32>
    %div3A_590 = arith.divf %neg3A_587, %div3A_589 : vector<1024xf32>
    %exp3A_591 = math.exp %div3A_590 : vector<1024xf32>
    %mul3A_592 = arith.constant 1.000000e+01 : f32
    %mul3A_593 = vector.broadcast %mul3A_592 : f32 to vector<1024xf32>
    %mul3A_594 = arith.mulf %exp3A_591, %mul3A_593 : vector<1024xf32>
    %add3A_595 = arith.constant 1.000000e+00 : f32
    %add3A_596 = vector.broadcast %add3A_595 : f32 to vector<1024xf32>
    %add3A_597 = arith.addf %mul3A_594, %add3A_596 : vector<1024xf32>
    %lt3A_598 = arith.constant 4.000000e+00 : f32
    %lt3A_599 = vector.broadcast %lt3A_598 : f32 to vector<1024xf32>
    %lt3A_600 = arith.cmpf olt, %add3A_597, %lt3A_599 : vector<1024xf32>
    %jit3A_601 = arith.constant 1.000000e+00 : f32
    %jit3A_602 = arith.constant 5.000000e+00 : f32
    %broadcast_in_dim3A_603 = vector.broadcast %jit3A_601 : f32 to vector<1024xf32>
    %broadcast_in_dim3A_604 = vector.broadcast %jit3A_602 : f32 to vector<1024xf32>
    %select_n3A_605 = arith.select %lt3A_600, %broadcast_in_dim3A_603, %broadcast_in_dim3A_604 : vector<1024xi1>, vector<1024xf32>
    %mul3A_606 = arith.mulf %slice3A_580, %div3A_57 : vector<1024x3xf32>
    %reduce_sum3A_607 = arith.constant dense<0.000000e+00> : vector<1024xf32>
    %reduce_sum3A_608 = vector.multi_reduction <add>, %mul3A_606, %reduce_sum3A_607 [1] : vector<1024x3xf32> to vector<1024xf32>
    %mul3A_609 = arith.mulf %slice3A_580, %slice3A_580 : vector<1024x3xf32>
    %reduce_sum3A_610 = arith.constant dense<0.000000e+00> : vector<1024xf32>
    %reduce_sum3A_611 = vector.multi_reduction <add>, %mul3A_609, %reduce_sum3A_610 [1] : vector<1024x3xf32> to vector<1024xf32>
    %sqrt3A_612 = math.sqrt %reduce_sum3A_611 : vector<1024xf32>
    %mul3A_613 = arith.mulf %div3A_57, %div3A_57 : vector<1024x3xf32>
    %reduce_sum3A_614 = arith.constant dense<0.000000e+00> : vector<1024xf32>
    %reduce_sum3A_615 = vector.multi_reduction <add>, %mul3A_613, %reduce_sum3A_614 [1] : vector<1024x3xf32> to vector<1024xf32>
    %sqrt3A_616 = math.sqrt %reduce_sum3A_615 : vector<1024xf32>
    %mul3A_617 = arith.mulf %sqrt3A_612, %sqrt3A_616 : vector<1024xf32>
    %max3A_618 = arith.constant 9.99999993E-9 : f32
    %max3A_619 = vector.broadcast %max3A_618 : f32 to vector<1024xf32>
    %max3A_620 = arith.maximumf %mul3A_617, %max3A_619 : vector<1024xf32>
    %div3A_621 = arith.divf %reduce_sum3A_608, %max3A_620 : vector<1024xf32>
    %abs3A_622 = math.absf %div3A_621 : vector<1024xf32>
    %sub3A_623 = arith.constant 1.000000e+00 : f32
    %sub3A_624 = vector.broadcast %sub3A_623 : f32 to vector<1024xf32>
    %sub3A_625 = arith.subf %sub3A_624, %abs3A_622 : vector<1024xf32>
    %mul3A_626 = arith.mulf %slice3A_580, %stack3A_111 : vector<1024x3xf32>
    %reduce_sum3A_627 = arith.constant dense<0.000000e+00> : vector<1024xf32>
    %reduce_sum3A_628 = vector.multi_reduction <add>, %mul3A_626, %reduce_sum3A_627 [1] : vector<1024x3xf32> to vector<1024xf32>
    %mul3A_629 = arith.mulf %slice3A_580, %slice3A_580 : vector<1024x3xf32>
    %reduce_sum3A_630 = arith.constant dense<0.000000e+00> : vector<1024xf32>
    %reduce_sum3A_631 = vector.multi_reduction <add>, %mul3A_629, %reduce_sum3A_630 [1] : vector<1024x3xf32> to vector<1024xf32>
    %sqrt3A_632 = math.sqrt %reduce_sum3A_631 : vector<1024xf32>
    %mul3A_633 = arith.mulf %stack3A_111, %stack3A_111 : vector<1024x3xf32>
    %reduce_sum3A_634 = arith.constant dense<0.000000e+00> : vector<1024xf32>
    %reduce_sum3A_635 = vector.multi_reduction <add>, %mul3A_633, %reduce_sum3A_634 [1] : vector<1024x3xf32> to vector<1024xf32>
    %sqrt3A_636 = math.sqrt %reduce_sum3A_635 : vector<1024xf32>
    %mul3A_637 = arith.mulf %sqrt3A_632, %sqrt3A_636 : vector<1024xf32>
    %max3A_638 = arith.constant 9.99999993E-9 : f32
    %max3A_639 = vector.broadcast %max3A_638 : f32 to vector<1024xf32>
    %max3A_640 = arith.maximumf %mul3A_637, %max3A_639 : vector<1024xf32>
    %div3A_641 = arith.divf %reduce_sum3A_628, %max3A_640 : vector<1024xf32>
    %abs3A_642 = math.absf %div3A_641 : vector<1024xf32>
    %sub3A_643 = arith.constant 1.000000e+00 : f32
    %sub3A_644 = vector.broadcast %sub3A_643 : f32 to vector<1024xf32>
    %sub3A_645 = arith.subf %sub3A_644, %abs3A_642 : vector<1024xf32>
    %min3A_646 = arith.minimumf %sub3A_625, %sub3A_645 : vector<1024xf32>
    %mul3A_647 = arith.mulf %select_n3A_605, %min3A_646 : vector<1024xf32>
    %add3A_648 = arith.addf %add3A_562, %mul3A_647 : vector<1024xf32>
    %swap3A_649 = arith.constant 0 : index
    %swap3A_650 = arith.constant 0 : index
    %swap3A_651 = arith.constant 0 : index
    %swap3A_652 = vector.load %arg5[%swap3A_649, %swap3A_650, %swap3A_651] : memref<1x1x1024xf32, #tpu.memory_space<vmem>>, vector<1x1x1024xf32>
    %swap3A_653 = vector.shape_cast %swap3A_652 : vector<1x1x1024xf32> to vector<1024xf32>
    %swap3A_654 = vector.shape_cast %add3A_648 : vector<1024xf32> to vector<1x1x1024xf32>
    tpu.vector_store %arg5[%swap3A_649, %swap3A_650, %swap3A_651], %swap3A_654 {strides = array<i32>} : memref<1x1x1024xf32, #tpu.memory_space<vmem>>, vector<1x1x1024xf32>,
    return
  }
  func.func @transform_0(%arg0: i32) -> (i32, i32, i32) {
    %c0_i32 = arith.constant 0 : i32
    %c0_i32_0 = arith.constant 0 : i32
    %c0_i32_1 = arith.constant 0 : i32
    return %arg0, %c0_i32, %c0_i32_0 : i32, i32, i32
  }
  func.func @transform_1(%arg0: i32) -> (i32, i32, i32) {
    %c0_i32 = arith.constant 0 : i32
    %c0_i32_0 = arith.constant 0 : i32
    %c0_i32_1 = arith.constant 0 : i32
    return %arg0, %c0_i32, %c0_i32_0 : i32, i32, i32
  }
  func.func @transform_2(%arg0: i32) -> (i32, i32, i32) {
    %c0_i32 = arith.constant 0 : i32
    %c0_i32_0 = arith.constant 0 : i32
    %c0_i32_1 = arith.constant 0 : i32
    return %arg0, %c0_i32, %c0_i32_0 : i32, i32, i32
  }
  func.func @transform_3(%arg0: i32) -> (i32, i32, i32) {
    %c0_i32 = arith.constant 0 : i32
    %c0_i32_0 = arith.constant 0 : i32
    %c0_i32_1 = arith.constant 0 : i32
    return %arg0, %c0_i32, %c0_i32_0 : i32, i32, i32
  }
  func.func @transform_4(%arg0: i32) -> (i32, i32, i32) {
    %c0_i32 = arith.constant 0 : i32
    %c0_i32_0 = arith.constant 0 : i32
    %c0_i32_1 = arith.constant 0 : i32
    return %arg0, %c0_i32, %c0_i32_0 : i32, i32, i32
  }
  func.func @transform_5(%arg0: i32) -> (i32, i32, i32) {
    %c0_i32 = arith.constant 0 : i32
    %c0_i32_0 = arith.constant 0 : i32
    %c0_i32_1 = arith.constant 0 : i32
    return %arg0, %c0_i32, %c0_i32_0 : i32, i32, i32
  }
  func.func @transform_6(%arg0: i32) -> (i32, i32, i32) {
    %c0_i32 = arith.constant 0 : i32
    %c0_i32_0 = arith.constant 0 : i32
    %c0_i32_1 = arith.constant 0 : i32
    return %arg0, %c0_i32, %c0_i32_0 : i32, i32, i32
  }
}

module attributes {stable_mosaic.version = 14 : i64} {
  func.func @_finish_body(%arg0: memref<16x1x1024xf32, #tpu.memory_space<vmem>>, %arg1: memref<16x1x1024xf32, #tpu.memory_space<vmem>>, %arg2: memref<4x1x4096xf32, #tpu.memory_space<vmem>>, %arg3: memref<4x1x4096xf32, #tpu.memory_space<vmem>>, %arg4: memref<4x1x1024xf32, #tpu.memory_space<vmem>>, %arg5: memref<4x1x1024xf32, #tpu.memory_space<vmem>>, %arg6: memref<4x1x1024xf32, #tpu.memory_space<vmem>>, %arg7: memref<1x1xf32, #tpu.memory_space<smem>>, %arg8: memref<1x1xf32, #tpu.memory_space<smem>>, %arg9: memref<1x1xf32, #tpu.memory_space<smem>>, %arg10: memref<1x1xf32, #tpu.memory_space<smem>>, %arg11: memref<1x1xf32, #tpu.memory_space<smem>>, %arg12: memref<1x1xf32, #tpu.memory_space<smem>>) attributes {dimension_semantics = [], scalar_prefetch = 0 : i64, scratch_operands = 0 : i64, tpu.core_type = #tpu.core_type<tc>} {
    %get3A = arith.constant 0 : index
    %get3A_0 = arith.constant 0 : index
    %get3A_1 = arith.constant 0 : index
    %get3A_2 = vector.load %arg4[%get3A, %get3A_0, %get3A_1] : memref<4x1x1024xf32, #tpu.memory_space<vmem>>, vector<4x1x1024xf32>
    %reduce_sum3A = vector.shape_cast %get3A_2 : vector<4x1x1024xf32> to vector<1x4x1x1024xf32>
    %reduce_sum3A_3 = arith.constant dense<0.000000e+00> : vector<1xf32>
    %reduce_sum3A_4 = vector.multi_reduction <add>, %reduce_sum3A, %reduce_sum3A_3 [1, 2, 3] : vector<1x4x1x1024xf32> to vector<1xf32>
    %reduce_sum3A_5 = vector.shape_cast %reduce_sum3A_4 : vector<1xf32> to vector<1x1x1x1xf32>
    %reduce_sum3A_6 = vector.extract %reduce_sum3A_5[0, 0, 0, 0] : f32 from vector<1x1x1x1xf32>
    %div3A = arith.constant 2.457600e+04 : f32
    %div3A_7 = arith.divf %reduce_sum3A_6, %div3A : f32
    %get3A_8 = arith.constant 0 : index
    %get3A_9 = arith.constant 0 : index
    %get3A_10 = arith.constant 0 : index
    %get3A_11 = vector.load %arg5[%get3A_8, %get3A_9, %get3A_10] : memref<4x1x1024xf32, #tpu.memory_space<vmem>>, vector<4x1x1024xf32>
    %reduce_sum3A_12 = vector.shape_cast %get3A_11 : vector<4x1x1024xf32> to vector<1x4x1x1024xf32>
    %reduce_sum3A_13 = arith.constant dense<0.000000e+00> : vector<1xf32>
    %reduce_sum3A_14 = vector.multi_reduction <add>, %reduce_sum3A_12, %reduce_sum3A_13 [1, 2, 3] : vector<1x4x1x1024xf32> to vector<1xf32>
    %reduce_sum3A_15 = vector.shape_cast %reduce_sum3A_14 : vector<1xf32> to vector<1x1x1x1xf32>
    %reduce_sum3A_16 = vector.extract %reduce_sum3A_15[0, 0, 0, 0] : f32 from vector<1x1x1x1xf32>
    %div3A_17 = arith.constant 4.096000e+03 : f32
    %div3A_18 = arith.divf %reduce_sum3A_16, %div3A_17 : f32
    %get3A_19 = arith.constant 0 : index
    %get3A_20 = arith.constant 0 : index
    %get3A_21 = arith.constant 0 : index
    %get3A_22 = vector.load %arg6[%get3A_19, %get3A_20, %get3A_21] : memref<4x1x1024xf32, #tpu.memory_space<vmem>>, vector<4x1x1024xf32>
    %reduce_sum3A_23 = vector.shape_cast %get3A_22 : vector<4x1x1024xf32> to vector<1x4x1x1024xf32>
    %reduce_sum3A_24 = arith.constant dense<0.000000e+00> : vector<1xf32>
    %reduce_sum3A_25 = vector.multi_reduction <add>, %reduce_sum3A_23, %reduce_sum3A_24 [1, 2, 3] : vector<1x4x1x1024xf32> to vector<1xf32>
    %reduce_sum3A_26 = vector.shape_cast %reduce_sum3A_25 : vector<1xf32> to vector<1x1x1x1xf32>
    %reduce_sum3A_27 = vector.extract %reduce_sum3A_26[0, 0, 0, 0] : f32 from vector<1x1x1x1xf32>
    %div3A_28 = arith.constant 4.096000e+03 : f32
    %div3A_29 = arith.divf %reduce_sum3A_27, %div3A_28 : f32
    %get3A_30 = arith.constant 0 : index
    %get3A_31 = arith.constant 0 : index
    %get3A_32 = arith.constant 0 : index
    %get3A_33 = vector.load %arg1[%get3A_30, %get3A_31, %get3A_32] : memref<16x1x1024xf32, #tpu.memory_space<vmem>>, vector<16x1x1024xf32>
    %reduce_sum3A_34 = vector.shape_cast %get3A_33 : vector<16x1x1024xf32> to vector<1x16x1x1024xf32>
    %reduce_sum3A_35 = arith.constant dense<0.000000e+00> : vector<1xf32>
    %reduce_sum3A_36 = vector.multi_reduction <add>, %reduce_sum3A_34, %reduce_sum3A_35 [1, 2, 3] : vector<1x16x1x1024xf32> to vector<1xf32>
    %reduce_sum3A_37 = vector.shape_cast %reduce_sum3A_36 : vector<1xf32> to vector<1x1x1x1xf32>
    %reduce_sum3A_38 = vector.extract %reduce_sum3A_37[0, 0, 0, 0] : f32 from vector<1x1x1x1xf32>
    %div3A_39 = arith.constant 1.638400e+04 : f32
    %div3A_40 = arith.divf %reduce_sum3A_38, %div3A_39 : f32
    %get3A_41 = arith.constant 0 : index
    %get3A_42 = arith.constant 0 : index
    %get3A_43 = arith.constant 0 : index
    %get3A_44 = vector.load %arg3[%get3A_41, %get3A_42, %get3A_43] : memref<4x1x4096xf32, #tpu.memory_space<vmem>>, vector<4x1x4096xf32>
    %reduce_sum3A_45 = vector.shape_cast %get3A_44 : vector<4x1x4096xf32> to vector<1x4x1x4096xf32>
    %reduce_sum3A_46 = arith.constant dense<0.000000e+00> : vector<1xf32>
    %reduce_sum3A_47 = vector.multi_reduction <add>, %reduce_sum3A_45, %reduce_sum3A_46 [1, 2, 3] : vector<1x4x1x4096xf32> to vector<1xf32>
    %reduce_sum3A_48 = vector.shape_cast %reduce_sum3A_47 : vector<1xf32> to vector<1x1x1x1xf32>
    %reduce_sum3A_49 = vector.extract %reduce_sum3A_48[0, 0, 0, 0] : f32 from vector<1x1x1x1xf32>
    %div3A_50 = arith.constant 1.638400e+04 : f32
    %div3A_51 = arith.divf %reduce_sum3A_49, %div3A_50 : f32
    %add3A = arith.addf %div3A_40, %div3A_51 : f32
    %get3A_52 = arith.constant 0 : index
    %get3A_53 = arith.constant 0 : index
    %get3A_54 = arith.constant 0 : index
    %get3A_55 = vector.load %arg0[%get3A_52, %get3A_53, %get3A_54] : memref<16x1x1024xf32, #tpu.memory_space<vmem>>, vector<16x1x1024xf32>
    %reduce_sum3A_56 = vector.shape_cast %get3A_55 : vector<16x1x1024xf32> to vector<1x16x1x1024xf32>
    %reduce_sum3A_57 = arith.constant dense<0.000000e+00> : vector<1xf32>
    %reduce_sum3A_58 = vector.multi_reduction <add>, %reduce_sum3A_56, %reduce_sum3A_57 [1, 2, 3] : vector<1x16x1x1024xf32> to vector<1xf32>
    %reduce_sum3A_59 = vector.shape_cast %reduce_sum3A_58 : vector<1xf32> to vector<1x1x1x1xf32>
    %reduce_sum3A_60 = vector.extract %reduce_sum3A_59[0, 0, 0, 0] : f32 from vector<1x1x1x1xf32>
    %div3A_61 = arith.constant 1.638400e+04 : f32
    %div3A_62 = arith.divf %reduce_sum3A_60, %div3A_61 : f32
    %get3A_63 = arith.constant 0 : index
    %get3A_64 = arith.constant 0 : index
    %get3A_65 = arith.constant 0 : index
    %get3A_66 = vector.load %arg2[%get3A_63, %get3A_64, %get3A_65] : memref<4x1x4096xf32, #tpu.memory_space<vmem>>, vector<4x1x4096xf32>
    %reduce_sum3A_67 = vector.shape_cast %get3A_66 : vector<4x1x4096xf32> to vector<1x4x1x4096xf32>
    %reduce_sum3A_68 = arith.constant dense<0.000000e+00> : vector<1xf32>
    %reduce_sum3A_69 = vector.multi_reduction <add>, %reduce_sum3A_67, %reduce_sum3A_68 [1, 2, 3] : vector<1x4x1x4096xf32> to vector<1xf32>
    %reduce_sum3A_70 = vector.shape_cast %reduce_sum3A_69 : vector<1xf32> to vector<1x1x1x1xf32>
    %reduce_sum3A_71 = vector.extract %reduce_sum3A_70[0, 0, 0, 0] : f32 from vector<1x1x1x1xf32>
    %div3A_72 = arith.constant 1.638400e+04 : f32
    %div3A_73 = arith.divf %reduce_sum3A_71, %div3A_72 : f32
    %add3A_74 = arith.addf %div3A_62, %div3A_73 : f32
    %mul3A = arith.constant 4.000000e-01 : f32
    %mul3A_75 = arith.mulf %mul3A, %add3A : f32
    %add3A_76 = arith.addf %add3A_74, %mul3A_75 : f32
    %add3A_77 = arith.addf %div3A_7, %div3A_18 : f32
    %mul3A_78 = arith.constant 1.000000e-01 : f32
    %mul3A_79 = arith.mulf %mul3A_78, %div3A_29 : f32
    %add3A_80 = arith.addf %add3A_77, %mul3A_79 : f32
    %mul3A_81 = arith.constant 2.000000e+02 : f32
    %mul3A_82 = arith.mulf %mul3A_81, %add3A_76 : f32
    %add3A_83 = arith.addf %add3A_80, %mul3A_82 : f32
    %swap3A = arith.constant 0 : index
    %swap3A_84 = arith.constant 0 : index
    %swap3A_85 = memref.load %arg7[%swap3A, %swap3A_84] : memref<1x1xf32, #tpu.memory_space<smem>>
    memref.store %add3A_83, %arg7[%swap3A, %swap3A_84] : memref<1x1xf32, #tpu.memory_space<smem>>
    %swap3A_86 = arith.constant 0 : index
    %swap3A_87 = arith.constant 0 : index
    %swap3A_88 = memref.load %arg8[%swap3A_86, %swap3A_87] : memref<1x1xf32, #tpu.memory_space<smem>>
    memref.store %div3A_7, %arg8[%swap3A_86, %swap3A_87] : memref<1x1xf32, #tpu.memory_space<smem>>
    %swap3A_89 = arith.constant 0 : index
    %swap3A_90 = arith.constant 0 : index
    %swap3A_91 = memref.load %arg9[%swap3A_89, %swap3A_90] : memref<1x1xf32, #tpu.memory_space<smem>>
    memref.store %div3A_18, %arg9[%swap3A_89, %swap3A_90] : memref<1x1xf32, #tpu.memory_space<smem>>
    %swap3A_92 = arith.constant 0 : index
    %swap3A_93 = arith.constant 0 : index
    %swap3A_94 = memref.load %arg10[%swap3A_92, %swap3A_93] : memref<1x1xf32, #tpu.memory_space<smem>>
    memref.store %add3A, %arg10[%swap3A_92, %swap3A_93] : memref<1x1xf32, #tpu.memory_space<smem>>
    %swap3A_95 = arith.constant 0 : index
    %swap3A_96 = arith.constant 0 : index
    %swap3A_97 = memref.load %arg11[%swap3A_95, %swap3A_96] : memref<1x1xf32, #tpu.memory_space<smem>>
    memref.store %div3A_29, %arg11[%swap3A_95, %swap3A_96] : memref<1x1xf32, #tpu.memory_space<smem>>
    %swap3A_98 = arith.constant 0 : index
    %swap3A_99 = arith.constant 0 : index
    %swap3A_100 = memref.load %arg12[%swap3A_98, %swap3A_99] : memref<1x1xf32, #tpu.memory_space<smem>>
    memref.store %add3A_74, %arg12[%swap3A_98, %swap3A_99] : memref<1x1xf32, #tpu.memory_space<smem>>
    return
  }
}

</mosaic_0001>

<sc_bundles>
// kernel: kernel.7.cloned.1.call-start
scs
__scs_entry_jumppad:
0x0: {  	(pc) =	sbr.rel $0x88, $3  }
0x1: {  	(tag) =	ssettag $0x0;
	lr =	simm.s32 $0x1  }
0x2: {  	[smem:$0x3F9B] =	sst lr;
	_ =	strace $0xD0000000  }
0x3: {  	_ = 	snop  }
0x4: {  	_ = 	snop  }
0x5: {  	_ = 	snop  }
0x6: {  	_ = 	snop  }
0x7: {  	_ = 	snop  }
__scs_overlays_trampoline_lowered:
0x8: {  	[smem:$0x3FAA] =	sst s0  }
0x9: {  	[smem:$0x3FAB] =	sst s1  }
0xa: {  	[smem:$0x3FAC] =	sst s2  }
0xb: {  	[smem:$0x3FAD] =	sst s3  }
0xc: {  	[smem:$0x3FAE] =	sst s4  }
0xd: {  	[smem:$0x3FAF] =	sst s5  }
0xe: {  	[smem:$0x3FB0] =	sst s6  }
0xf: {  	[smem:$0x3FB1] =	sst s7  }
0x10: {  	[smem:$0x3FB2] =	sst s8  }
0x11: {  	[smem:$0x3FB3] =	sst s9;
	s0 =	simm.s32 @!p0 $0x0  }
0x12: {  	s1 =	sld [smem:$0x3F99];
	s0 =	simm.s32 @p0 $0x1  }
0x13: {  	[smem:$0x3FB4] =	sst s0;
	s0 =	simm.s32 @!p1 $0x0  }
0x14: {  	s2 =	sld [smem:$0x3F98];
	s0 =	simm.s32 @p1 $0x1  }
0x15: {  	[smem:$0x3FB5] =	sst s0;
	s0 =	simm.s32 @!p2 $0x0  }
0x16: {  	s3 =	sld [smem:$0x3FDB];
	s0 =	simm.s32 @p2 $0x1  }
0x17: {  	s4 =	simm.s32 $0x1BF5;
	[smem:$0x3FB7] =	sst s0  }
0x18: {  	s0 =	sld [smem:$0x3F9A];
	_ =	swait.ge [sflag:s4], $0x0  }
0x19: {  	s7 =	sld [smem:$0x3F9B]  }
0x1a: {  	s8 =	sadd.s32 $0xFFFFE003, lr  }
0x1b: {  	s9 =	sadd.s32 $0xFFFFFEF7, lr;
	s5 =	simm.s32 $0xFFFFFFFF;
	p2 =	slt.u32 s8, $0xFFFFF086  }
0x1c: {  	p1 =	slt.u32 s9, $0xF7A;
	s5 =	simm.s32 @!p2 $0x0  }
0x1d: {  	s5 =	simm.s32 @p1 $0x1;
	p0 =	seq.s32 s7, s2  }
0x1e: {  	s7 =	smul.u32 @!p0 $0xF7A, s2;
	p2 =	seq.s32 @!p0 s5, $0x0  }
0x1f: {  	s9 =	smul.u32 $0xF7A, s1;
	s8 =	simm.s32 @!p0 $0x1BF5;
	p2 =	por !p2, p0  }
0x20: {  	[sflag:s8] =	ssyncset.s32 @!p0 $0xFFFFF086;
	s6 =	sadd.s32 @!p0 s3, s7;
	s7 =	simm.s32 @!p0 $0x108  }
0x21: {  	s3 =	sadd.s32 s3, s9;
	s6 =	sadd.s32 @!p0 $0x88, s6;
	s7 =	simm.s32 @p2 $0x1082  }
0x22: {  	[simem:s7], [sflag:s8] =	dma.local @!p0 [hbm:s6], $0xF7A  }
0x23: {  	s9 =	sor.u32 $0xD0000000, s2;
	s6 =	simm.s32 $0x108;
	_ =	swait.ge @!p0 [sflag:s8], $0x0  }
0x24: {  	s3 =	sadd.s32 $0x88, s3;
	s6 =	simm.s32 @!p1 $0x1082;
	[sflag:s4] =	ssyncset.s32 $0xFFFFF086  }
0x25: {  	[simem:s6], [sflag:s4] =	dma.local [hbm:s3], $0xF7A  }
0x26: {  	[smem:$0x3F9B] =	sst s1;
	(tag) =	ssettag s2;
	_ =	strace s9  }
0x27: {  	s1 =	sld [smem:$0x3FAB]  }
0x28: {  	s2 =	sld [smem:$0x3FAC]  }
0x29: {  	s4 =	sld [smem:$0x3FAE]  }
0x2a: {  	p0 =	seq.s32 s5, $0x0;
	s5 =	sld [smem:$0x3FAF]  }
0x2b: {  	s6 =	sld [smem:$0x3FB0]  }
0x2c: {  	s7 =	sld [smem:$0x3FB1]  }
0x2d: {  	s3 =	simm.s32 $0x108;
	s8 =	sld [smem:$0x3FB2]  }
0x2e: {  	s3 =	simm.s32 @!p0 $0x1082;
	s9 =	sld [smem:$0x3FB3]  }
0x2f: {  	lr =	sadd.s32 s0, s3;
	s0 =	sld [smem:$0x3FAA]  }
0x30: {  	s3 =	sld [smem:$0x3FAD]  }
0x31: {  	[smem:$0x3FB6] =	sst s10  }
0x32: {  	s10 =	sld [smem:$0x3FB4];
	_ =	sdelay $0x3  }
0x33: {  	p0 =	seq.s32 s10, $0x1;
	s10 =	sld [smem:$0x3FB6];
	_ =	sdelay $0x3  }
0x34: {  	[smem:$0x3FB6] =	sst s10  }
0x35: {  	s10 =	sld [smem:$0x3FB5];
	_ =	sdelay $0x3  }
0x36: {  	p1 =	seq.s32 s10, $0x1;
	s10 =	sld [smem:$0x3FB6];
	_ =	sdelay $0x3  }
0x37: {  	[smem:$0x3FB6] =	sst s10  }
0x38: {  	s10 =	sld [smem:$0x3FB7]  }
0x39: {  	_ = 	snop;
	(pc) =	sbr.ind lr, $3  }
0x3a: {  	_ = 	snop  }
0x3b: {  	_ = 	snop  }
0x3c: {  	p2 =	seq.s32 s10, $0x1;
	s10 =	sld [smem:$0x3FB6]  }
0x3d: {  	_ =	shalt  }
0x3e: {  	_ =	shalt  }
0x3f: {  	_ =	shalt  }
0x40: {  	_ =	shalt  }
0x41: {  	_ =	shalt  }
0x42: {  	_ =	shalt  }
0x43: {  	_ =	shalt  }
0x44: {  	_ =	shalt  }
0x45: {  	_ =	shalt  }
0x46: {  	_ =	shalt  }
0x47: {  	_ =	shalt  }
0x48: {  	_ =	shalt  }
0x49: {  	_ =	shalt  }
0x4a: {  	_ =	shalt  }
0x4b: {  	_ =	shalt  }
0x4c: {  	_ =	shalt  }
0x4d: {  	_ =	shalt  }
0x4e: {  	_ =	shalt  }
0x4f: {  	_ =	shalt  }
0x50: {  	_ =	shalt  }
0x51: {  	_ =	shalt  }
0x52: {  	_ =	shalt  }
0x53: {  	_ =	shalt  }
0x54: {  	_ =	shalt  }
0x55: {  	_ =	shalt  }
0x56: {  	_ =	shalt  }
0x57: {  	_ =	shalt  }
0x58: {  	_ =	shalt  }
0x59: {  	_ =	shalt  }
0x5a: {  	_ =	shalt  }
0x5b: {  	_ =	shalt  }
0x5c: {  	_ =	shalt  }
0x5d: {  	_ =	shalt  }
0x5e: {  	_ =	shalt  }
0x5f: {  	_ =	shalt  }
0x60: {  	_ =	shalt  }
0x61: {  	_ =	shalt  }
0x62: {  	_ =	shalt  }
0x63: {  	_ =	shalt  }
0x64: {  	_ =	shalt  }
0x65: {  	_ =	shalt  }
0x66: {  	_ =	shalt  }
0x67: {  	_ =	shalt  }
0x68: {  	_ =	shalt  }
0x69: {  	_ =	shalt  }
0x6a: {  	_ =	shalt  }
0x6b: {  	_ =	shalt  }
0x6c: {  	_ =	shalt  }
0x6d: {  	_ =	shalt  }
0x6e: {  	_ =	shalt  }
0x6f: {  	_ =	shalt  }
0x70: {  	_ =	shalt  }
0x71: {  	_ =	shalt  }
0x72: {  	_ =	shalt  }
0x73: {  	_ =	shalt  }
0x74: {  	_ =	shalt  }
0x75: {  	_ =	shalt  }
0x76: {  	_ =	shalt  }
0x77: {  	_ =	shalt  }
0x78: {  	_ =	shalt  }
0x79: {  	_ =	shalt  }
0x7a: {  	_ =	shalt  }
0x7b: {  	_ =	shalt  }
0x7c: {  	_ =	shalt  }
0x7d: {  	_ =	shalt  }
0x7e: {  	_ =	shalt  }
0x7f: {  	_ =	shalt  }
0x80: {  	_ =	shalt  }
0x81: {  	_ =	shalt  }
0x82: {  	_ =	shalt  }
0x83: {  	_ =	shalt  }
0x84: {  	_ =	shalt  }
0x85: {  	_ =	shalt  }
0x86: {  	_ =	shalt  }
0x87: {  	_ =	shalt  }
.Lfunc_end0:
.L_simem_size_0:
called_computation_lowered:
.L_overlay_start_0:
0x88: {  	s0 =	sld [smem:$0x3FD9]  }
0x89: {  	s1 =	sld [smem:$0x3FFE];
	_ =	sdelay $0x3  }
0x8a: {  	s0 =	sadd.s32 s1, s0  }
0x8b: {  	[smem:$0x3FC2] =	sst s0  }
0x8c: {  	_ = 	snop  }
0x8d: {  	(tm) =	ssettm $0x1  }
0x8e: {  	s15 =	sld [smem:$0x3FFB];
	_ =	sdelay $0x3  }
0x8f: {  	_ =	strace s15  }
0x90: {  	s0 =	sld [smem:$0x3FFC];
	_ =	sdelay $0x3  }
0x91: {  	_ =	strace s0  }
0x92: {  	s0 =	sld [smem:$0x3FFD];
	_ =	sdelay $0x3  }
0x93: {  	_ =	strace s0  }
0x94: {  	_ =	strace $0x8FFFFFFF  }
0x95: {  	s16 =	sld [smem:$0x3FDB];
	_ =	sdelay $0x1  }
0x96: {  	s17 =	simm.s32 $_scs_section_size  }
0x97: {  	s2 =	simm.s32 $_size__tile_overlayer_lowered;
	s3 =	simm.s32 $_tile_overlayer_lowered  }
0x98: {  	s20 =	simm.s32 $0x1BFF;
	s19 =	sshll.u32 s3, $0x1;
	s0 =	sadd.s32 s17, s16  }
0x99: {  	s4 =	simm.s32 $0x0;
	s18 =	sshll.u32 s2, $0x1;
	s2 =	sadd.s32 s19, s0  }
0x9a: {  	[timem:s4], [sflag:s20] =	dma.local [hbm:s2], s18  }
0x9b: {  	_ =	swait.ge [sflag:s20], s18  }
0x9c: {  	s1 =	ssub.s32 $0x0, s18;
	[sflag:s20] =	ssyncset.done $0x0  }
0x9d: {  	[sflag:s20] =	ssyncadd.s32 s1;
	_ =	sdelay $0x1  }
0x9e: {  	s21 =	simm.s32 $0x1B8B  }
0x9f: {  	_ =	swait.ge [sflag:s21], $0x1  }
0xa0: {  	[sflag:s21] =	ssyncset.done $0x0  }
0xa1: {  	s23 =	simm.s32 $0x1B8E;
	s22 =	sld [smem:$0x3FFE];
	[sflag:s21] =	ssyncadd.s32 $0xFFFFFFFF  }
0xa2: {  	s24 =	simm.s32 $execute0_lowered;
	[smem:$0x3FD2] =	sst s23  }
0xa3: {  	s2 =	sshll.u32 s24, $0x1;
	_ =	strace $0x80000046;
	[dreg:$0x1] =	wrdreg $0xFFFFFFFF  }
0xa4: {  	s25 =	simm.s32 $_size_execute0_lowered;
	s0 =	sadd.s32 s0, s2;
	[dreg:$0x0] =	wrdreg $0x0  }
0xa5: {  	s2 =	sshll.u32 s25, $0x1;
	[dreg:$0x2] =	wrdreg s0  }
0xa6: {  	[dreg:$0x3] =	wrdreg s2  }
0xa7: {  	[dreg:$0x4] =	wrdreg $0xC0  }
0xa8: {  	_ =	task [dreg:s4], $0x5FFFF  }
0xa9: {  	[dreg:$0x1] =	wrdreg $0xFFFFFFFF  }
0xaa: {  	[dreg:$0x0] =	wrdreg $0x60  }
0xab: {  	[dreg:$0x2] =	wrdreg s22  }
0xac: {  	[dreg:$0x3] =	wrdreg $0x9  }
0xad: {  	_ =	task.clear_ibuf [dreg:s4], $0x4FFFF;
	_ =	strace $0x90000046  }
0xae: {  	s26 =	simm.s32 $0x9;
	_ =	strace $0x80000048  }
0xaf: {  	_ =	swait.ge [sflag:s26], $0x1  }
0xb0: {  	[sflag:s26] =	ssyncadd.s32 $0xFFFFFFFF  }
0xb1: {  	_ =	strace $0x90000048  }
0xb2: {  	_ =	sfence  }
0xb3: {  	s28 =	sld [smem:$0x0];
	_ =	sdelay $0x1  }
0xb4: {  	s29 =	srdreg.scid  }
0xb5: {  	s30 =	sshll.u32 s29, $0xD;
	s31 =	sshrl.u32 s29, $0x2  }
0xb6: {  	s1 =	sand.u32 $0x1, s29;
	s2 =	sand.u32 $0x4000, s30;
	s0 =	sadd.s32 s31, s28  }
0xb7: {  	s1 =	sor.u32 s2, s1;
	s0 =	sshll.u32 s0, $0x11  }
0xb8: {  	s0 =	sor.u32 s0, s1  }
0xb9: {  	s0 =	sadd.s32 $0x8F2B, s0  }
0xba: {  	[sflag:s0] =	ssyncadd.remote.s32 $0x1  }
0xbb: {  	_ =	sfence.sel $0xFFFF  }
0xbc: {  	[dreg:$0x0] =	wrdreg $0xFFFFFFFF;
	(pc) =	sbr.abs _section_cstart, $3  }
0xbd: {  	[dreg:$0x1] =	wrdreg $0xFFFFFFFF  }
0xbe: {  	_ =	task.clear_ibuf [dreg:s4], $0x2FFFF;
	_ =	strace $0x9FFFFFFF  }
0xbf: {  	(tm) =	ssettm $0x7FFFFFFF  }
tec
execute0_lowered:
.L_overlay_start_1:
0x0: {  	(tag) =	ssettag $0x1  }
0x1: {  	s0 =	rddreg [dreg:$0x0];
	s1 =	stileid.u32  }
0x2: {  	s2 =	rddreg [dreg:$0x1];
	s3 =	simm.s32 $0x0;
	s4 =	sshll.u32 s1, $0x5  }
0x3: {  	[smem:$0x7FF] =	sst s3;
	s4 =	sadd.s32 s4, s0  }
0x4: {  	s30 =	simm.s32 $0x2;
	_ =	strace $0x80000047;
	s4 =	sadd.s32 $0x9600, s4  }
0x5: {  	[tilespmem:s3], [sflag:$0x2] =	stream.linear.gather [hbm4b:s4+s3], $0x100, $0x38;
	[tilespmem:$0x1100] =	vst v63  }
0x6: {  	_ =	swait.ge [sflag:s30], $0x100  }
0x7: {  	s6 =	simm.s32 $0x100;
	[sflag:s30] =	ssyncset.done $0x0  }
0x8: {  	s31 =	simm.s32 $0x1;
	s5 =	sadd.s32 $0x1600, s0;
	[sflag:s30] =	ssyncadd.s32 $0xFFFFFF00  }
0x9: {  	[tilespmem:s6], [sflag:$0x1] =	stream.indirect.gather [hbm4b:s5+s6], $0x10, s3, s6, $0xb8;
	[tilespmem:$0x1100] =	vst v63  }
0xa: {  	s7 =	sshll.u32 s1, $0x9;
	_ =	swait.ge [sflag:s31], $0x1000  }
0xb: {  	s0 =	sadd.s32 s7, s0;
	[sflag:s31] =	ssyncset.done $0x0  }
0xc: {  	s0 =	sadd.s32 $0x9800, s0;
	[sflag:s31] =	ssyncadd.s32 $0xFFFFF000  }
0xd: {  	[hbm4b:s0+s3] =	stream.linear.scatter [tilespmem:s6], [sflag:$0x2], $0x1000, $0x38;
	[tilespmem:$0x1100] =	vst v63  }
0xe: {  	_ =	swait.ge [sflag:s30], $0x1000  }
0xf: {  	[sflag:s30] =	ssyncset.done $0x0  }
0x10: {  	[sflag:s30] =	ssyncadd.s32 $0xFFFFF000  }
0x11: {  	_ =	sfence.sel $0x180000  }
0x12: {  	[bflag:$0x0] =	sbarrier.arrive $0xFFFF  }
0x13: {  	p0 =	sne.s32 s1, $0x0;
	_ =	strace $0x90000047  }
0x14: {  	s0 =	sadd.s32 @!p0 $0x100000, s2;
	[bflag:$0x2] =	sbarrier.arrive $0xFFFF  }
0x15: {  	[sflag:s0] =	ssyncadd.tile.s32 @!p0 $0x1;
	_ =	shalt  }
.Lfunc_end2:
_tile_overlayer_lowered:
.L_overlay_start_2:
0x16: {  	(tag) =	ssettag $0x2  }
0x17: {  	s0 =	rddreg [dreg:$0x0];
	s2 =	stileid.u32  }
0x18: {  	s1 =	rddreg [dreg:$0x1];
	p0 =	sne.s32 s2, $0x0  }
0x19: {  	s3 =	rddreg [dreg:$0x2];
	[bflag:$0x3] =	sbarrier.arrive $0xFFFF;
	s2 =	simm.s32 @!p0 $0x1C02  }
0x1a: {  	[timem:s3], [sflag:s2] =	dma.local @!p0 [hbm:s0], s1  }
0x1b: {  	s0 =	simm.s32 @!p0 $0x2  }
0x1c: {  	_ =	swait.ge @!p0 [sflag:s0], s1  }
0x1d: {  	s1 =	ssub.s32 @!p0 $0x0, s1;
	[sflag:s0] =	ssyncset.done @!p0 $0x0  }
0x1e: {  	[sflag:s0] =	ssyncadd.s32 @!p0 s1  }
0x1f: {  	[bflag:$0x3] =	sbarrier.arrive $0xFFFF  }
0x20: {  	_ =	shalt  }

</sc_bundles>
